<compile_context>
chip_gen: v7x
topology: tpu7x:2x2x1
jax: 0.10.2.dev20260603
libtpu: 0.0.44.dev20260713+nightly
codegen_flags: <defaults>
</compile_context>

<pallas_src>
import jax
import jax.numpy as jnp
from jax import lax
from jax.experimental import pallas as pl
from jax.experimental.pallas import tpu as pltpu
from jax.experimental.pallas import tpu_sc as plsc

B = 16384
D = 128
NC = 2
NS = 16
NW = NC * NS
CHUNK = 128
VA_PAD = 16
VC_PAD = 256

HALF = B // 2
BPW = HALF // NW
NCH = BPW // CHUNK


def _sc_gather_body(uid_hbm, ut_hbm, u_out, idx_u, rows_u, g0, g1, sem_w):
    wid = lax.axis_index("s") * NC + lax.axis_index("c")
    base = wid * BPW
    pltpu.sync_copy(uid_hbm.at[wid], idx_u)
    gsems = (g0, g1)
    cps = [
        pltpu.async_copy(ut_hbm.at[idx_u.at[j]],
                         rows_u.at[pl.ds(j * CHUNK, CHUNK)], gsems[j])
        for j in range(NCH)
    ]
    wps = []
    for j in range(NCH):
        cps[j].wait()
        wps.append(pltpu.async_copy(
            rows_u.at[pl.ds(j * CHUNK, CHUNK)],
            u_out.at[pl.ds(base + j * CHUNK, CHUNK)], sem_w))
    for wp in wps:
        wp.wait()


_sc_gather = pl.kernel(
    _sc_gather_body,
    mesh=plsc.VectorSubcoreMesh(core_axis_name="c", subcore_axis_name="s"),
    out_type=jax.ShapeDtypeStruct((HALF, D), jnp.float32),
    scratch_types=[
        pltpu.VMEM((NCH, CHUNK), jnp.int32),
        pltpu.VMEM((BPW, D), jnp.float32),
        pltpu.SemaphoreType.DMA,
        pltpu.SemaphoreType.DMA,
        pltpu.SemaphoreType.DMA,
    ],
)


BLK = 4096


def _xac_body(age_ref, cty_ref, at_ref, ct_ref, w0a, w0c, b0, xac_ref):
    f32 = jnp.float32
    bf = jnp.bfloat16
    aw = jnp.dot(at_ref[...], w0a[...], preferred_element_type=f32).astype(bf)
    cw = jnp.dot(ct_ref[...], w0c[...], preferred_element_type=f32).astype(bf)
    age = age_ref[0, 0, :].reshape(BLK, 1)
    cty = cty_ref[0, 0, :].reshape(BLK, 1)
    oh_a = (age == lax.broadcasted_iota(jnp.int32, (BLK, VA_PAD), 1)).astype(bf)
    oh_c = (cty == lax.broadcasted_iota(jnp.int32, (BLK, VC_PAD), 1)).astype(bf)
    x = jnp.dot(oh_a, aw, preferred_element_type=f32)
    x += jnp.dot(oh_c, cw, preferred_element_type=f32)
    xac_ref[...] = (x + b0[...]).astype(bf)


def _xac(age, cty, at_pad, ct_pad, w0a, w0c, b0):
    full = lambda r, cdim: pl.BlockSpec((r, cdim), lambda i: (0, 0))
    return pl.pallas_call(
        _xac_body,
        grid=(B // BLK,),
        in_specs=[
            pl.BlockSpec((1, 1, BLK), lambda i: (i, 0, 0)),
            pl.BlockSpec((1, 1, BLK), lambda i: (i, 0, 0)),
            full(VA_PAD, D // 4), full(VC_PAD, D // 2),
            full(D // 4, 256), full(D // 2, 256), full(1, 256),
        ],
        out_specs=pl.BlockSpec((BLK, 256), lambda i: (i, 0)),
        out_shape=jax.ShapeDtypeStruct((B, 256), jnp.bfloat16),
    )(age, cty, at_pad, ct_pad, w0a, w0c, b0)


MBLK = 2048


def _mlp_body(u_ref, xac_ref, w0u, w1, b1, w2, b2, out_ref):
    f32 = jnp.float32
    bf = jnp.bfloat16
    x = jnp.dot(u_ref[...].astype(bf), w0u[...], preferred_element_type=f32)
    x += xac_ref[...].astype(f32)
    h = jnp.maximum(x, 0.0).astype(bf)
    h = jnp.dot(h, w1[...], preferred_element_type=f32) + b1[...]
    h = jnp.maximum(h, 0.0).astype(bf)
    out_ref[...] = jnp.dot(h, w2[...], preferred_element_type=f32) + b2[...]


def _mlp_half(u, xac, w0u, w1, b1, w2, b2, half):
    ofs = half * (HALF // MBLK)
    full = lambda r, cdim: pl.BlockSpec((r, cdim), lambda i: (0, 0))
    return pl.pallas_call(
        _mlp_body,
        grid=(HALF // MBLK,),
        in_specs=[
            pl.BlockSpec((MBLK, D), lambda i: (i, 0)),
            pl.BlockSpec((MBLK, 256), lambda i, _ofs=ofs: (i + _ofs, 0)),
            full(D, 256), full(256, 256), full(1, 256),
            full(256, D), full(1, D),
        ],
        out_specs=pl.BlockSpec((MBLK, D), lambda i: (i, 0)),
        out_shape=jax.ShapeDtypeStruct((HALF, D), jnp.float32),
    )(u, xac, w0u, w1, b1, w2, b2)


def kernel(user_id, age_bin, country, user_table, age_table, country_table,
           W0, b0, W1, b1, W2, b2):
    uid = user_id.astype(jnp.int32).reshape(2, NW, NCH, CHUNK)
    u0 = _sc_gather(uid[0], user_table)
    u1 = _sc_gather(uid[1], user_table)
    age = age_bin.astype(jnp.int32).reshape(B // BLK, 1, BLK)
    cty = country.astype(jnp.int32).reshape(B // BLK, 1, BLK)
    bf = jnp.bfloat16
    at_pad = jnp.pad(age_table, ((0, VA_PAD - age_table.shape[0]), (0, 0))).astype(bf)
    ct_pad = jnp.pad(country_table, ((0, VC_PAD - country_table.shape[0]), (0, 0))).astype(bf)
    w0u = W0[:D].astype(bf)
    w0a = W0[D:D + D // 4].astype(bf)
    w0c = W0[D + D // 4:].astype(bf)
    xac = _xac(age, cty, at_pad, ct_pad, w0a, w0c, b0.reshape(1, -1))
    w1b = W1.astype(bf)
    w2b = W2.astype(bf)
    b1r = b1.reshape(1, -1)
    b2r = b2.reshape(1, -1)
    o0 = _mlp_half(u0, xac, w0u, w1b, b1r, w2b, b2r, 0)
    o1 = _mlp_half(u1, xac, w0u, w1b, b1r, w2b, b2r, 1)
    return jnp.concatenate([o0, o1], axis=0)

# --- scband reference (transcript-rebuilt; emitter-appended) ---
"""Pipeline reference for scband-user-tower-10067403342394 (READ-ONLY COPY).

The authoritative reference and input builder live on the scoring server;
editing this copy changes nothing except your own understanding.
"""

import jax, jax.numpy as jnp
import numpy as np

B = 16384
D = 128
V_USER = 100000
V_AGE = 10
V_COUNTRY = 200

def setup_inputs(seed: int = 0) -> dict:
    key = jax.random.key(seed)
    ks = jax.random.split(key, 12)
    user_id = jax.random.randint(ks[0], (B,), 0, V_USER)
    age_bin = jax.random.randint(ks[1], (B,), 0, V_AGE)
    country = jax.random.randint(ks[2], (B,), 0, V_COUNTRY)
    user_table = jax.random.normal(ks[3], (V_USER, D), dtype=jnp.float32) * 0.02
    age_table = jax.random.normal(ks[4], (V_AGE, D // 4), dtype=jnp.float32) * 0.02
    country_table = jax.random.normal(ks[5], (V_COUNTRY, D // 2), dtype=jnp.float32) * 0.02
    mlp_in = D + D // 4 + D // 2  # 224
    W0 = jax.random.normal(ks[6], (mlp_in, 256), dtype=jnp.float32) * (1.0 / np.sqrt(mlp_in))
    b0 = jnp.zeros((256,), dtype=jnp.float32)
    W1 = jax.random.normal(ks[7], (256, 256), dtype=jnp.float32) * (1.0 / np.sqrt(256))
    b1 = jnp.zeros((256,), dtype=jnp.float32)
    W2 = jax.random.normal(ks[8], (256, D), dtype=jnp.float32) * (1.0 / np.sqrt(256))
    b2 = jnp.zeros((D,), dtype=jnp.float32)
    return {
        "user_id": user_id, "age_bin": age_bin, "country": country,
        "user_table": user_table, "age_table": age_table, "country_table": country_table,
        "W0": W0, "b0": b0, "W1": W1, "b1": b1, "W2": W2, "b2": b2,
    }

def reference(user_id, age_bin, country, user_table, age_table, country_table, W0, b0, W1, b1, W2, b2):
    # embedding lookups (gather)
    u = jnp.take(user_table, user_id, axis=0)
    a = jnp.take(age_table, age_bin, axis=0)
    c = jnp.take(country_table, country, axis=0)
    x = jnp.concatenate([u, a, c], axis=1)
    # MLP: N_LAYERS_USER=2 hidden layers of 256 with ReLU (dropout is identity in eval), then proj to D
    h = jax.nn.relu(x @ W0 + b0)
    h = jax.nn.relu(h @ W1 + b1)
    out = h @ W2 + b2
    return out

if __name__ == "__main__":
    import jax
    _d = setup_inputs()
    print(jax.jit(kernel)(*tuple(_d.values())))

</pallas_src>

<mosaic_0001>
#map = affine_map<(d0, d1) -> (0, 0, 0)>
#map1 = affine_map<(d0, d1) -> (0, 0)>
module attributes {stable_mosaic.version = 14 : i64} {
  func.func @_sc_gather_body(%arg0: i32, %arg1: i32, %arg2: memref<32x2x128xi32, #tpu.memory_space<hbm>>, %arg3: memref<100000x128xf32, #tpu.memory_space<hbm>>, %arg4: memref<8192x128xf32, #tpu.memory_space<hbm>>, %arg5: memref<2x128xi32, #tpu.memory_space<vmem>>, %arg6: memref<256x128xf32, #tpu.memory_space<vmem>>, %arg7: memref<!tpu.dma_semaphore, #tpu.memory_space<semaphore_mem>>, %arg8: memref<!tpu.dma_semaphore, #tpu.memory_space<semaphore_mem>>, %arg9: memref<!tpu.dma_semaphore, #tpu.memory_space<semaphore_mem>>) attributes {dimension_semantics = [#tpu.dimension_semantics<core_parallel>, #tpu.dimension_semantics<subcore_parallel>], iteration_bounds = array<i64: 2, 16>, scalar_prefetch = 0 : i64, scratch_operands = 5 : i64, tpu.core_type = #tpu.core_type<sc_vector_subcore>, window_params = [{transform_indices = #map}, {transform_indices = #map1}, {transform_indices = #map1}]} {
    %mul3A = arith.constant 2 : i32
    %mul3A_0 = arith.muli %arg1, %mul3A : i32
    %add3A = arith.addi %mul3A_0, %arg0 : i32
    %mul3A_1 = arith.constant 256 : i32
    %mul3A_2 = arith.muli %add3A, %mul3A_1 : i32
    "tpu.region"() ({
      %run_scoped3A = tpu.sem_alloc : memref<!tpu.dma_semaphore, #tpu.memory_space<semaphore_mem>>
      %dma_start3A_85 = arith.constant 0 : i32
      %dma_start3A_86 = arith.constant 0 : i32
      %dma_start3A_87 = tpu.memref_slice %arg2[%add3A, %dma_start3A_85, %dma_start3A_86] : memref<32x2x128xi32, #tpu.memory_space<hbm>> -> memref<1x2x128xi32, #tpu.memory_space<hbm>>
      %dma_start3A_88 = tpu.memref_squeeze %dma_start3A_87 : memref<1x2x128xi32, #tpu.memory_space<hbm>> -> memref<2x128xi32, #tpu.memory_space<hbm>>
      %dma_start3A_89 = arith.constant 0 : i32
      %dma_start3A_90 = arith.constant 0 : i32
      %dma_start3A_91 = tpu.memref_slice %arg2[%add3A, %dma_start3A_89, %dma_start3A_90] : memref<32x2x128xi32, #tpu.memory_space<hbm>> -> memref<1x2x128xi32, #tpu.memory_space<hbm>>
      %dma_start3A_92 = tpu.memref_squeeze %dma_start3A_91 : memref<1x2x128xi32, #tpu.memory_space<hbm>> -> memref<2x128xi32, #tpu.memory_space<hbm>>
      tpu.enqueue_dma source(%dma_start3A_92 : memref<2x128xi32, #tpu.memory_space<hbm>>) target(%arg5 : memref<2x128xi32, #tpu.memory_space<vmem>>) target_semaphore(%run_scoped3A : memref<!tpu.dma_semaphore, #tpu.memory_space<semaphore_mem>>)
      %dma_wait3A_93 = arith.constant 0 : i32
      %dma_wait3A_94 = arith.constant 0 : i32
      %dma_wait3A_95 = tpu.memref_slice %arg2[%add3A, %dma_wait3A_93, %dma_wait3A_94] : memref<32x2x128xi32, #tpu.memory_space<hbm>> -> memref<1x2x128xi32, #tpu.memory_space<hbm>>
      %dma_wait3A_96 = tpu.memref_squeeze %dma_wait3A_95 : memref<1x2x128xi32, #tpu.memory_space<hbm>> -> memref<2x128xi32, #tpu.memory_space<hbm>>
      %dma_wait3A_97 = arith.constant 0 : i32
      %dma_wait3A_98 = arith.constant 0 : i32
      %dma_wait3A_99 = tpu.memref_slice %arg2[%add3A, %dma_wait3A_97, %dma_wait3A_98] : memref<32x2x128xi32, #tpu.memory_space<hbm>> -> memref<1x2x128xi32, #tpu.memory_space<hbm>>
      %dma_wait3A_100 = tpu.memref_squeeze %dma_wait3A_99 : memref<1x2x128xi32, #tpu.memory_space<hbm>> -> memref<2x128xi32, #tpu.memory_space<hbm>>
      tpu.wait_dma2 semaphore(%run_scoped3A : memref<!tpu.dma_semaphore, #tpu.memory_space<semaphore_mem>>) src(%dma_wait3A_100 : memref<2x128xi32, #tpu.memory_space<hbm>>) dst(%arg5 : memref<2x128xi32, #tpu.memory_space<vmem>>)
      tpu.yield
    }) : () -> ()
    %dma_start3A = arith.constant 0 : i32
    %dma_start3A_3 = arith.constant 0 : i32
    %dma_start3A_4 = arith.constant 0 : i32
    %dma_start3A_5 = tpu.memref_slice %arg6[%dma_start3A_3, %dma_start3A_4] : memref<256x128xf32, #tpu.memory_space<vmem>> -> memref<128x128xf32, #tpu.memory_space<vmem>>
    %dma_start3A_6 = arith.constant 0 : i32
    %dma_start3A_7 = tpu.memref_slice %arg5[%dma_start3A, %dma_start3A_6] : memref<2x128xi32, #tpu.memory_space<vmem>> -> memref<1x128xi32, #tpu.memory_space<vmem>>
    %dma_start3A_8 = tpu.memref_squeeze %dma_start3A_7 : memref<1x128xi32, #tpu.memory_space<vmem>> -> memref<128xi32, #tpu.memory_space<vmem>>
    %dma_start3A_9 = arith.constant 0 : i32
    %dma_start3A_10 = arith.constant 0 : i32
    %dma_start3A_11 = tpu.memref_slice %arg3[%dma_start3A_9, %dma_start3A_10] : memref<100000x128xf32, #tpu.memory_space<hbm>> -> memref<100000x128xf32, #tpu.memory_space<hbm>>
    tpu.enqueue_indirect_dma source(%dma_start3A_11 : memref<100000x128xf32, #tpu.memory_space<hbm>>) target(%dma_start3A_5 : memref<128x128xf32, #tpu.memory_space<vmem>>) offsets(%dma_start3A_8 : memref<128xi32, #tpu.memory_space<vmem>>) semaphore(%arg7 : memref<!tpu.dma_semaphore, #tpu.memory_space<semaphore_mem>>)
    %dma_start3A_12 = arith.constant 1 : i32
    %dma_start3A_13 = arith.constant 128 : i32
    %dma_start3A_14 = arith.constant 0 : i32
    %dma_start3A_15 = tpu.memref_slice %arg6[%dma_start3A_13, %dma_start3A_14] : memref<256x128xf32, #tpu.memory_space<vmem>> -> memref<128x128xf32, #tpu.memory_space<vmem>>
    %dma_start3A_16 = arith.constant 0 : i32
    %dma_start3A_17 = tpu.memref_slice %arg5[%dma_start3A_12, %dma_start3A_16] : memref<2x128xi32, #tpu.memory_space<vmem>> -> memref<1x128xi32, #tpu.memory_space<vmem>>
    %dma_start3A_18 = tpu.memref_squeeze %dma_start3A_17 : memref<1x128xi32, #tpu.memory_space<vmem>> -> memref<128xi32, #tpu.memory_space<vmem>>
    %dma_start3A_19 = arith.constant 0 : i32
    %dma_start3A_20 = arith.constant 0 : i32
    %dma_start3A_21 = tpu.memref_slice %arg3[%dma_start3A_19, %dma_start3A_20] : memref<100000x128xf32, #tpu.memory_space<hbm>> -> memref<100000x128xf32, #tpu.memory_space<hbm>>
    tpu.enqueue_indirect_dma source(%dma_start3A_21 : memref<100000x128xf32, #tpu.memory_space<hbm>>) target(%dma_start3A_15 : memref<128x128xf32, #tpu.memory_space<vmem>>) offsets(%dma_start3A_18 : memref<128xi32, #tpu.memory_space<vmem>>) semaphore(%arg8 : memref<!tpu.dma_semaphore, #tpu.memory_space<semaphore_mem>>)
    %dma_wait3A = arith.constant 0 : i32
    %dma_wait3A_22 = arith.constant 0 : i32
    %dma_wait3A_23 = arith.constant 0 : i32
    %dma_wait3A_24 = tpu.memref_slice %arg6[%dma_wait3A_22, %dma_wait3A_23] : memref<256x128xf32, #tpu.memory_space<vmem>> -> memref<128x128xf32, #tpu.memory_space<vmem>>
    %dma_wait3A_25 = arith.constant 0 : i32
    %dma_wait3A_26 = tpu.memref_slice %arg5[%dma_wait3A, %dma_wait3A_25] : memref<2x128xi32, #tpu.memory_space<vmem>> -> memref<1x128xi32, #tpu.memory_space<vmem>>
    %dma_wait3A_27 = tpu.memref_squeeze %dma_wait3A_26 : memref<1x128xi32, #tpu.memory_space<vmem>> -> memref<128xi32, #tpu.memory_space<vmem>>
    %dma_wait3A_28 = arith.constant 0 : i32
    %dma_wait3A_29 = arith.constant 0 : i32
    %dma_wait3A_30 = tpu.memref_slice %arg3[%dma_wait3A_28, %dma_wait3A_29] : memref<100000x128xf32, #tpu.memory_space<hbm>> -> memref<100000x128xf32, #tpu.memory_space<hbm>>
    tpu.wait_indirect_dma semaphore(%arg7 : memref<!tpu.dma_semaphore, #tpu.memory_space<semaphore_mem>>) src(%dma_wait3A_30 : memref<100000x128xf32, #tpu.memory_space<hbm>>) dst(%dma_wait3A_24 : memref<128x128xf32, #tpu.memory_space<vmem>>)
    %add3A_31 = arith.constant 0 : i32
    %add3A_32 = arith.addi %mul3A_2, %add3A_31 : i32
    %dma_start3A_33 = arith.constant 0 : i32
    %dma_start3A_34 = arith.constant 0 : i32
    %dma_start3A_35 = tpu.memref_slice %arg6[%dma_start3A_33, %dma_start3A_34] : memref<256x128xf32, #tpu.memory_space<vmem>> -> memref<128x128xf32, #tpu.memory_space<vmem>>
    %dma_start3A_36 = arith.constant 0 : i32
    %dma_start3A_37 = tpu.memref_slice %arg4[%add3A_32, %dma_start3A_36] : memref<8192x128xf32, #tpu.memory_space<hbm>> -> memref<128x128xf32, #tpu.memory_space<hbm>>
    %dma_start3A_38 = arith.constant 0 : i32
    %dma_start3A_39 = tpu.memref_slice %arg4[%add3A_32, %dma_start3A_38] : memref<8192x128xf32, #tpu.memory_space<hbm>> -> memref<128x128xf32, #tpu.memory_space<hbm>>
    %dma_start3A_40 = arith.constant 0 : i32
    %dma_start3A_41 = arith.constant 0 : i32
    %dma_start3A_42 = tpu.memref_slice %arg6[%dma_start3A_40, %dma_start3A_41] : memref<256x128xf32, #tpu.memory_space<vmem>> -> memref<128x128xf32, #tpu.memory_space<vmem>>
    tpu.enqueue_dma source(%dma_start3A_42 : memref<128x128xf32, #tpu.memory_space<vmem>>) target(%dma_start3A_39 : memref<128x128xf32, #tpu.memory_space<hbm>>) target_semaphore(%arg9 : memref<!tpu.dma_semaphore, #tpu.memory_space<semaphore_mem>>)
    %dma_wait3A_43 = arith.constant 1 : i32
    %dma_wait3A_44 = arith.constant 128 : i32
    %dma_wait3A_45 = arith.constant 0 : i32
    %dma_wait3A_46 = tpu.memref_slice %arg6[%dma_wait3A_44, %dma_wait3A_45] : memref<256x128xf32, #tpu.memory_space<vmem>> -> memref<128x128xf32, #tpu.memory_space<vmem>>
    %dma_wait3A_47 = arith.constant 0 : i32
    %dma_wait3A_48 = tpu.memref_slice %arg5[%dma_wait3A_43, %dma_wait3A_47] : memref<2x128xi32, #tpu.memory_space<vmem>> -> memref<1x128xi32, #tpu.memory_space<vmem>>
    %dma_wait3A_49 = tpu.memref_squeeze %dma_wait3A_48 : memref<1x128xi32, #tpu.memory_space<vmem>> -> memref<128xi32, #tpu.memory_space<vmem>>
    %dma_wait3A_50 = arith.constant 0 : i32
    %dma_wait3A_51 = arith.constant 0 : i32
    %dma_wait3A_52 = tpu.memref_slice %arg3[%dma_wait3A_50, %dma_wait3A_51] : memref<100000x128xf32, #tpu.memory_space<hbm>> -> memref<100000x128xf32, #tpu.memory_space<hbm>>
    tpu.wait_indirect_dma semaphore(%arg8 : memref<!tpu.dma_semaphore, #tpu.memory_space<semaphore_mem>>) src(%dma_wait3A_52 : memref<100000x128xf32, #tpu.memory_space<hbm>>) dst(%dma_wait3A_46 : memref<128x128xf32, #tpu.memory_space<vmem>>)
    %add3A_53 = arith.constant 128 : i32
    %add3A_54 = arith.addi %mul3A_2, %add3A_53 : i32
    %dma_start3A_55 = arith.constant 128 : i32
    %dma_start3A_56 = arith.constant 0 : i32
    %dma_start3A_57 = tpu.memref_slice %arg6[%dma_start3A_55, %dma_start3A_56] : memref<256x128xf32, #tpu.memory_space<vmem>> -> memref<128x128xf32, #tpu.memory_space<vmem>>
    %dma_start3A_58 = arith.constant 0 : i32
    %dma_start3A_59 = tpu.memref_slice %arg4[%add3A_54, %dma_start3A_58] : memref<8192x128xf32, #tpu.memory_space<hbm>> -> memref<128x128xf32, #tpu.memory_space<hbm>>
    %dma_start3A_60 = arith.constant 0 : i32
    %dma_start3A_61 = tpu.memref_slice %arg4[%add3A_54, %dma_start3A_60] : memref<8192x128xf32, #tpu.memory_space<hbm>> -> memref<128x128xf32, #tpu.memory_space<hbm>>
    %dma_start3A_62 = arith.constant 128 : i32
    %dma_start3A_63 = arith.constant 0 : i32
    %dma_start3A_64 = tpu.memref_slice %arg6[%dma_start3A_62, %dma_start3A_63] : memref<256x128xf32, #tpu.memory_space<vmem>> -> memref<128x128xf32, #tpu.memory_space<vmem>>
    tpu.enqueue_dma source(%dma_start3A_64 : memref<128x128xf32, #tpu.memory_space<vmem>>) target(%dma_start3A_61 : memref<128x128xf32, #tpu.memory_space<hbm>>) target_semaphore(%arg9 : memref<!tpu.dma_semaphore, #tpu.memory_space<semaphore_mem>>)
    %dma_wait3A_65 = arith.constant 0 : i32
    %dma_wait3A_66 = arith.constant 0 : i32
    %dma_wait3A_67 = tpu.memref_slice %arg6[%dma_wait3A_65, %dma_wait3A_66] : memref<256x128xf32, #tpu.memory_space<vmem>> -> memref<128x128xf32, #tpu.memory_space<vmem>>
    %dma_wait3A_68 = arith.constant 0 : i32
    %dma_wait3A_69 = tpu.memref_slice %arg4[%add3A_32, %dma_wait3A_68] : memref<8192x128xf32, #tpu.memory_space<hbm>> -> memref<128x128xf32, #tpu.memory_space<hbm>>
    %dma_wait3A_70 = arith.constant 0 : i32
    %dma_wait3A_71 = tpu.memref_slice %arg4[%add3A_32, %dma_wait3A_70] : memref<8192x128xf32, #tpu.memory_space<hbm>> -> memref<128x128xf32, #tpu.memory_space<hbm>>
    %dma_wait3A_72 = arith.constant 0 : i32
    %dma_wait3A_73 = arith.constant 0 : i32
    %dma_wait3A_74 = tpu.memref_slice %arg6[%dma_wait3A_72, %dma_wait3A_73] : memref<256x128xf32, #tpu.memory_space<vmem>> -> memref<128x128xf32, #tpu.memory_space<vmem>>
    tpu.wait_dma2 semaphore(%arg9 : memref<!tpu.dma_semaphore, #tpu.memory_space<semaphore_mem>>) src(%dma_wait3A_74 : memref<128x128xf32, #tpu.memory_space<vmem>>) dst(%dma_wait3A_71 : memref<128x128xf32, #tpu.memory_space<hbm>>)
    %dma_wait3A_75 = arith.constant 128 : i32
    %dma_wait3A_76 = arith.constant 0 : i32
    %dma_wait3A_77 = tpu.memref_slice %arg6[%dma_wait3A_75, %dma_wait3A_76] : memref<256x128xf32, #tpu.memory_space<vmem>> -> memref<128x128xf32, #tpu.memory_space<vmem>>
    %dma_wait3A_78 = arith.constant 0 : i32
    %dma_wait3A_79 = tpu.memref_slice %arg4[%add3A_54, %dma_wait3A_78] : memref<8192x128xf32, #tpu.memory_space<hbm>> -> memref<128x128xf32, #tpu.memory_space<hbm>>
    %dma_wait3A_80 = arith.constant 0 : i32
    %dma_wait3A_81 = tpu.memref_slice %arg4[%add3A_54, %dma_wait3A_80] : memref<8192x128xf32, #tpu.memory_space<hbm>> -> memref<128x128xf32, #tpu.memory_space<hbm>>
    %dma_wait3A_82 = arith.constant 128 : i32
    %dma_wait3A_83 = arith.constant 0 : i32
    %dma_wait3A_84 = tpu.memref_slice %arg6[%dma_wait3A_82, %dma_wait3A_83] : memref<256x128xf32, #tpu.memory_space<vmem>> -> memref<128x128xf32, #tpu.memory_space<vmem>>
    tpu.wait_dma2 semaphore(%arg9 : memref<!tpu.dma_semaphore, #tpu.memory_space<semaphore_mem>>) src(%dma_wait3A_84 : memref<128x128xf32, #tpu.memory_space<vmem>>) dst(%dma_wait3A_81 : memref<128x128xf32, #tpu.memory_space<hbm>>)
    return
  }
}

#map = affine_map<(d0, d1) -> (0, 0, 0)>
#map1 = affine_map<(d0, d1) -> (0, 0)>
module attributes {stable_mosaic.version = 14 : i64} {
  func.func @_sc_gather_body(%arg0: i32, %arg1: i32, %arg2: memref<32x2x128xi32, #tpu.memory_space<hbm>>, %arg3: memref<100000x128xf32, #tpu.memory_space<hbm>>, %arg4: memref<8192x128xf32, #tpu.memory_space<hbm>>, %arg5: memref<2x128xi32, #tpu.memory_space<vmem>>, %arg6: memref<256x128xf32, #tpu.memory_space<vmem>>, %arg7: memref<!tpu.dma_semaphore, #tpu.memory_space<semaphore_mem>>, %arg8: memref<!tpu.dma_semaphore, #tpu.memory_space<semaphore_mem>>, %arg9: memref<!tpu.dma_semaphore, #tpu.memory_space<semaphore_mem>>) attributes {dimension_semantics = [#tpu.dimension_semantics<core_parallel>, #tpu.dimension_semantics<subcore_parallel>], iteration_bounds = array<i64: 2, 16>, scalar_prefetch = 0 : i64, scratch_operands = 5 : i64, tpu.core_type = #tpu.core_type<sc_vector_subcore>, window_params = [{transform_indices = #map}, {transform_indices = #map1}, {transform_indices = #map1}]} {
    %mul3A = arith.constant 2 : i32
    %mul3A_0 = arith.muli %arg1, %mul3A : i32
    %add3A = arith.addi %mul3A_0, %arg0 : i32
    %mul3A_1 = arith.constant 256 : i32
    %mul3A_2 = arith.muli %add3A, %mul3A_1 : i32
    "tpu.region"() ({
      %run_scoped3A = tpu.sem_alloc : memref<!tpu.dma_semaphore, #tpu.memory_space<semaphore_mem>>
      %dma_start3A_85 = arith.constant 0 : i32
      %dma_start3A_86 = arith.constant 0 : i32
      %dma_start3A_87 = tpu.memref_slice %arg2[%add3A, %dma_start3A_85, %dma_start3A_86] : memref<32x2x128xi32, #tpu.memory_space<hbm>> -> memref<1x2x128xi32, #tpu.memory_space<hbm>>
      %dma_start3A_88 = tpu.memref_squeeze %dma_start3A_87 : memref<1x2x128xi32, #tpu.memory_space<hbm>> -> memref<2x128xi32, #tpu.memory_space<hbm>>
      %dma_start3A_89 = arith.constant 0 : i32
      %dma_start3A_90 = arith.constant 0 : i32
      %dma_start3A_91 = tpu.memref_slice %arg2[%add3A, %dma_start3A_89, %dma_start3A_90] : memref<32x2x128xi32, #tpu.memory_space<hbm>> -> memref<1x2x128xi32, #tpu.memory_space<hbm>>
      %dma_start3A_92 = tpu.memref_squeeze %dma_start3A_91 : memref<1x2x128xi32, #tpu.memory_space<hbm>> -> memref<2x128xi32, #tpu.memory_space<hbm>>
      tpu.enqueue_dma source(%dma_start3A_92 : memref<2x128xi32, #tpu.memory_space<hbm>>) target(%arg5 : memref<2x128xi32, #tpu.memory_space<vmem>>) target_semaphore(%run_scoped3A : memref<!tpu.dma_semaphore, #tpu.memory_space<semaphore_mem>>)
      %dma_wait3A_93 = arith.constant 0 : i32
      %dma_wait3A_94 = arith.constant 0 : i32
      %dma_wait3A_95 = tpu.memref_slice %arg2[%add3A, %dma_wait3A_93, %dma_wait3A_94] : memref<32x2x128xi32, #tpu.memory_space<hbm>> -> memref<1x2x128xi32, #tpu.memory_space<hbm>>
      %dma_wait3A_96 = tpu.memref_squeeze %dma_wait3A_95 : memref<1x2x128xi32, #tpu.memory_space<hbm>> -> memref<2x128xi32, #tpu.memory_space<hbm>>
      %dma_wait3A_97 = arith.constant 0 : i32
      %dma_wait3A_98 = arith.constant 0 : i32
      %dma_wait3A_99 = tpu.memref_slice %arg2[%add3A, %dma_wait3A_97, %dma_wait3A_98] : memref<32x2x128xi32, #tpu.memory_space<hbm>> -> memref<1x2x128xi32, #tpu.memory_space<hbm>>
      %dma_wait3A_100 = tpu.memref_squeeze %dma_wait3A_99 : memref<1x2x128xi32, #tpu.memory_space<hbm>> -> memref<2x128xi32, #tpu.memory_space<hbm>>
      tpu.wait_dma2 semaphore(%run_scoped3A : memref<!tpu.dma_semaphore, #tpu.memory_space<semaphore_mem>>) src(%dma_wait3A_100 : memref<2x128xi32, #tpu.memory_space<hbm>>) dst(%arg5 : memref<2x128xi32, #tpu.memory_space<vmem>>)
      tpu.yield
    }) : () -> ()
    %dma_start3A = arith.constant 0 : i32
    %dma_start3A_3 = arith.constant 0 : i32
    %dma_start3A_4 = arith.constant 0 : i32
    %dma_start3A_5 = tpu.memref_slice %arg6[%dma_start3A_3, %dma_start3A_4] : memref<256x128xf32, #tpu.memory_space<vmem>> -> memref<128x128xf32, #tpu.memory_space<vmem>>
    %dma_start3A_6 = arith.constant 0 : i32
    %dma_start3A_7 = tpu.memref_slice %arg5[%dma_start3A, %dma_start3A_6] : memref<2x128xi32, #tpu.memory_space<vmem>> -> memref<1x128xi32, #tpu.memory_space<vmem>>
    %dma_start3A_8 = tpu.memref_squeeze %dma_start3A_7 : memref<1x128xi32, #tpu.memory_space<vmem>> -> memref<128xi32, #tpu.memory_space<vmem>>
    %dma_start3A_9 = arith.constant 0 : i32
    %dma_start3A_10 = arith.constant 0 : i32
    %dma_start3A_11 = tpu.memref_slice %arg3[%dma_start3A_9, %dma_start3A_10] : memref<100000x128xf32, #tpu.memory_space<hbm>> -> memref<100000x128xf32, #tpu.memory_space<hbm>>
    tpu.enqueue_indirect_dma source(%dma_start3A_11 : memref<100000x128xf32, #tpu.memory_space<hbm>>) target(%dma_start3A_5 : memref<128x128xf32, #tpu.memory_space<vmem>>) offsets(%dma_start3A_8 : memref<128xi32, #tpu.memory_space<vmem>>) semaphore(%arg7 : memref<!tpu.dma_semaphore, #tpu.memory_space<semaphore_mem>>)
    %dma_start3A_12 = arith.constant 1 : i32
    %dma_start3A_13 = arith.constant 128 : i32
    %dma_start3A_14 = arith.constant 0 : i32
    %dma_start3A_15 = tpu.memref_slice %arg6[%dma_start3A_13, %dma_start3A_14] : memref<256x128xf32, #tpu.memory_space<vmem>> -> memref<128x128xf32, #tpu.memory_space<vmem>>
    %dma_start3A_16 = arith.constant 0 : i32
    %dma_start3A_17 = tpu.memref_slice %arg5[%dma_start3A_12, %dma_start3A_16] : memref<2x128xi32, #tpu.memory_space<vmem>> -> memref<1x128xi32, #tpu.memory_space<vmem>>
    %dma_start3A_18 = tpu.memref_squeeze %dma_start3A_17 : memref<1x128xi32, #tpu.memory_space<vmem>> -> memref<128xi32, #tpu.memory_space<vmem>>
    %dma_start3A_19 = arith.constant 0 : i32
    %dma_start3A_20 = arith.constant 0 : i32
    %dma_start3A_21 = tpu.memref_slice %arg3[%dma_start3A_19, %dma_start3A_20] : memref<100000x128xf32, #tpu.memory_space<hbm>> -> memref<100000x128xf32, #tpu.memory_space<hbm>>
    tpu.enqueue_indirect_dma source(%dma_start3A_21 : memref<100000x128xf32, #tpu.memory_space<hbm>>) target(%dma_start3A_15 : memref<128x128xf32, #tpu.memory_space<vmem>>) offsets(%dma_start3A_18 : memref<128xi32, #tpu.memory_space<vmem>>) semaphore(%arg8 : memref<!tpu.dma_semaphore, #tpu.memory_space<semaphore_mem>>)
    %dma_wait3A = arith.constant 0 : i32
    %dma_wait3A_22 = arith.constant 0 : i32
    %dma_wait3A_23 = arith.constant 0 : i32
    %dma_wait3A_24 = tpu.memref_slice %arg6[%dma_wait3A_22, %dma_wait3A_23] : memref<256x128xf32, #tpu.memory_space<vmem>> -> memref<128x128xf32, #tpu.memory_space<vmem>>
    %dma_wait3A_25 = arith.constant 0 : i32
    %dma_wait3A_26 = tpu.memref_slice %arg5[%dma_wait3A, %dma_wait3A_25] : memref<2x128xi32, #tpu.memory_space<vmem>> -> memref<1x128xi32, #tpu.memory_space<vmem>>
    %dma_wait3A_27 = tpu.memref_squeeze %dma_wait3A_26 : memref<1x128xi32, #tpu.memory_space<vmem>> -> memref<128xi32, #tpu.memory_space<vmem>>
    %dma_wait3A_28 = arith.constant 0 : i32
    %dma_wait3A_29 = arith.constant 0 : i32
    %dma_wait3A_30 = tpu.memref_slice %arg3[%dma_wait3A_28, %dma_wait3A_29] : memref<100000x128xf32, #tpu.memory_space<hbm>> -> memref<100000x128xf32, #tpu.memory_space<hbm>>
    tpu.wait_indirect_dma semaphore(%arg7 : memref<!tpu.dma_semaphore, #tpu.memory_space<semaphore_mem>>) src(%dma_wait3A_30 : memref<100000x128xf32, #tpu.memory_space<hbm>>) dst(%dma_wait3A_24 : memref<128x128xf32, #tpu.memory_space<vmem>>)
    %add3A_31 = arith.constant 0 : i32
    %add3A_32 = arith.addi %mul3A_2, %add3A_31 : i32
    %dma_start3A_33 = arith.constant 0 : i32
    %dma_start3A_34 = arith.constant 0 : i32
    %dma_start3A_35 = tpu.memref_slice %arg6[%dma_start3A_33, %dma_start3A_34] : memref<256x128xf32, #tpu.memory_space<vmem>> -> memref<128x128xf32, #tpu.memory_space<vmem>>
    %dma_start3A_36 = arith.constant 0 : i32
    %dma_start3A_37 = tpu.memref_slice %arg4[%add3A_32, %dma_start3A_36] : memref<8192x128xf32, #tpu.memory_space<hbm>> -> memref<128x128xf32, #tpu.memory_space<hbm>>
    %dma_start3A_38 = arith.constant 0 : i32
    %dma_start3A_39 = tpu.memref_slice %arg4[%add3A_32, %dma_start3A_38] : memref<8192x128xf32, #tpu.memory_space<hbm>> -> memref<128x128xf32, #tpu.memory_space<hbm>>
    %dma_start3A_40 = arith.constant 0 : i32
    %dma_start3A_41 = arith.constant 0 : i32
    %dma_start3A_42 = tpu.memref_slice %arg6[%dma_start3A_40, %dma_start3A_41] : memref<256x128xf32, #tpu.memory_space<vmem>> -> memref<128x128xf32, #tpu.memory_space<vmem>>
    tpu.enqueue_dma source(%dma_start3A_42 : memref<128x128xf32, #tpu.memory_space<vmem>>) target(%dma_start3A_39 : memref<128x128xf32, #tpu.memory_space<hbm>>) target_semaphore(%arg9 : memref<!tpu.dma_semaphore, #tpu.memory_space<semaphore_mem>>)
    %dma_wait3A_43 = arith.constant 1 : i32
    %dma_wait3A_44 = arith.constant 128 : i32
    %dma_wait3A_45 = arith.constant 0 : i32
    %dma_wait3A_46 = tpu.memref_slice %arg6[%dma_wait3A_44, %dma_wait3A_45] : memref<256x128xf32, #tpu.memory_space<vmem>> -> memref<128x128xf32, #tpu.memory_space<vmem>>
    %dma_wait3A_47 = arith.constant 0 : i32
    %dma_wait3A_48 = tpu.memref_slice %arg5[%dma_wait3A_43, %dma_wait3A_47] : memref<2x128xi32, #tpu.memory_space<vmem>> -> memref<1x128xi32, #tpu.memory_space<vmem>>
    %dma_wait3A_49 = tpu.memref_squeeze %dma_wait3A_48 : memref<1x128xi32, #tpu.memory_space<vmem>> -> memref<128xi32, #tpu.memory_space<vmem>>
    %dma_wait3A_50 = arith.constant 0 : i32
    %dma_wait3A_51 = arith.constant 0 : i32
    %dma_wait3A_52 = tpu.memref_slice %arg3[%dma_wait3A_50, %dma_wait3A_51] : memref<100000x128xf32, #tpu.memory_space<hbm>> -> memref<100000x128xf32, #tpu.memory_space<hbm>>
    tpu.wait_indirect_dma semaphore(%arg8 : memref<!tpu.dma_semaphore, #tpu.memory_space<semaphore_mem>>) src(%dma_wait3A_52 : memref<100000x128xf32, #tpu.memory_space<hbm>>) dst(%dma_wait3A_46 : memref<128x128xf32, #tpu.memory_space<vmem>>)
    %add3A_53 = arith.constant 128 : i32
    %add3A_54 = arith.addi %mul3A_2, %add3A_53 : i32
    %dma_start3A_55 = arith.constant 128 : i32
    %dma_start3A_56 = arith.constant 0 : i32
    %dma_start3A_57 = tpu.memref_slice %arg6[%dma_start3A_55, %dma_start3A_56] : memref<256x128xf32, #tpu.memory_space<vmem>> -> memref<128x128xf32, #tpu.memory_space<vmem>>
    %dma_start3A_58 = arith.constant 0 : i32
    %dma_start3A_59 = tpu.memref_slice %arg4[%add3A_54, %dma_start3A_58] : memref<8192x128xf32, #tpu.memory_space<hbm>> -> memref<128x128xf32, #tpu.memory_space<hbm>>
    %dma_start3A_60 = arith.constant 0 : i32
    %dma_start3A_61 = tpu.memref_slice %arg4[%add3A_54, %dma_start3A_60] : memref<8192x128xf32, #tpu.memory_space<hbm>> -> memref<128x128xf32, #tpu.memory_space<hbm>>
    %dma_start3A_62 = arith.constant 128 : i32
    %dma_start3A_63 = arith.constant 0 : i32
    %dma_start3A_64 = tpu.memref_slice %arg6[%dma_start3A_62, %dma_start3A_63] : memref<256x128xf32, #tpu.memory_space<vmem>> -> memref<128x128xf32, #tpu.memory_space<vmem>>
    tpu.enqueue_dma source(%dma_start3A_64 : memref<128x128xf32, #tpu.memory_space<vmem>>) target(%dma_start3A_61 : memref<128x128xf32, #tpu.memory_space<hbm>>) target_semaphore(%arg9 : memref<!tpu.dma_semaphore, #tpu.memory_space<semaphore_mem>>)
    %dma_wait3A_65 = arith.constant 0 : i32
    %dma_wait3A_66 = arith.constant 0 : i32
    %dma_wait3A_67 = tpu.memref_slice %arg6[%dma_wait3A_65, %dma_wait3A_66] : memref<256x128xf32, #tpu.memory_space<vmem>> -> memref<128x128xf32, #tpu.memory_space<vmem>>
    %dma_wait3A_68 = arith.constant 0 : i32
    %dma_wait3A_69 = tpu.memref_slice %arg4[%add3A_32, %dma_wait3A_68] : memref<8192x128xf32, #tpu.memory_space<hbm>> -> memref<128x128xf32, #tpu.memory_space<hbm>>
    %dma_wait3A_70 = arith.constant 0 : i32
    %dma_wait3A_71 = tpu.memref_slice %arg4[%add3A_32, %dma_wait3A_70] : memref<8192x128xf32, #tpu.memory_space<hbm>> -> memref<128x128xf32, #tpu.memory_space<hbm>>
    %dma_wait3A_72 = arith.constant 0 : i32
    %dma_wait3A_73 = arith.constant 0 : i32
    %dma_wait3A_74 = tpu.memref_slice %arg6[%dma_wait3A_72, %dma_wait3A_73] : memref<256x128xf32, #tpu.memory_space<vmem>> -> memref<128x128xf32, #tpu.memory_space<vmem>>
    tpu.wait_dma2 semaphore(%arg9 : memref<!tpu.dma_semaphore, #tpu.memory_space<semaphore_mem>>) src(%dma_wait3A_74 : memref<128x128xf32, #tpu.memory_space<vmem>>) dst(%dma_wait3A_71 : memref<128x128xf32, #tpu.memory_space<hbm>>)
    %dma_wait3A_75 = arith.constant 128 : i32
    %dma_wait3A_76 = arith.constant 0 : i32
    %dma_wait3A_77 = tpu.memref_slice %arg6[%dma_wait3A_75, %dma_wait3A_76] : memref<256x128xf32, #tpu.memory_space<vmem>> -> memref<128x128xf32, #tpu.memory_space<vmem>>
    %dma_wait3A_78 = arith.constant 0 : i32
    %dma_wait3A_79 = tpu.memref_slice %arg4[%add3A_54, %dma_wait3A_78] : memref<8192x128xf32, #tpu.memory_space<hbm>> -> memref<128x128xf32, #tpu.memory_space<hbm>>
    %dma_wait3A_80 = arith.constant 0 : i32
    %dma_wait3A_81 = tpu.memref_slice %arg4[%add3A_54, %dma_wait3A_80] : memref<8192x128xf32, #tpu.memory_space<hbm>> -> memref<128x128xf32, #tpu.memory_space<hbm>>
    %dma_wait3A_82 = arith.constant 128 : i32
    %dma_wait3A_83 = arith.constant 0 : i32
    %dma_wait3A_84 = tpu.memref_slice %arg6[%dma_wait3A_82, %dma_wait3A_83] : memref<256x128xf32, #tpu.memory_space<vmem>> -> memref<128x128xf32, #tpu.memory_space<vmem>>
    tpu.wait_dma2 semaphore(%arg9 : memref<!tpu.dma_semaphore, #tpu.memory_space<semaphore_mem>>) src(%dma_wait3A_84 : memref<128x128xf32, #tpu.memory_space<vmem>>) dst(%dma_wait3A_81 : memref<128x128xf32, #tpu.memory_space<hbm>>)
    return
  }
}

module attributes {stable_mosaic.version = 14 : i64} {
  func.func @_xac_body(%arg0: i32, %arg1: memref<1x1x4096xi32, #tpu.memory_space<vmem>>, %arg2: memref<1x1x4096xi32, #tpu.memory_space<vmem>>, %arg3: memref<16x32xbf16, #tpu.memory_space<vmem>>, %arg4: memref<256x64xbf16, #tpu.memory_space<vmem>>, %arg5: memref<32x256xbf16, #tpu.memory_space<vmem>>, %arg6: memref<64x256xbf16, #tpu.memory_space<vmem>>, %arg7: memref<1x256xf32, #tpu.memory_space<vmem>>, %arg8: memref<4096x256xbf16, #tpu.memory_space<vmem>>) attributes {dimension_semantics = [#tpu.dimension_semantics<arbitrary>], iteration_bounds = array<i64: 4>, scalar_prefetch = 0 : i64, scratch_operands = 0 : i64, tpu.core_type = #tpu.core_type<tc>, window_params = [{transform_indices = @transform_0, window_bounds = array<i64: 1, 1, 4096>}, {transform_indices = @transform_1, window_bounds = array<i64: 1, 1, 4096>}, {pipeline_mode = #tpu.pipeline_mode<synchronous>, transform_indices = @transform_2, window_bounds = array<i64: 16, 32>}, {pipeline_mode = #tpu.pipeline_mode<synchronous>, transform_indices = @transform_3, window_bounds = array<i64: 256, 64>}, {pipeline_mode = #tpu.pipeline_mode<synchronous>, transform_indices = @transform_4, window_bounds = array<i64: 32, 256>}, {pipeline_mode = #tpu.pipeline_mode<synchronous>, transform_indices = @transform_5, window_bounds = array<i64: 64, 256>}, {pipeline_mode = #tpu.pipeline_mode<synchronous>, transform_indices = @transform_6, window_bounds = array<i64: 1, 256>}, {transform_indices = @transform_7, window_bounds = array<i64: 4096, 256>}]} {
    %get3A = arith.constant 0 : index
    %get3A_0 = arith.constant 0 : index
    %get3A_1 = vector.load %arg3[%get3A, %get3A_0] : memref<16x32xbf16, #tpu.memory_space<vmem>>, vector<16x32xbf16>
    %get3A_2 = arith.constant 0 : index
    %get3A_3 = arith.constant 0 : index
    %get3A_4 = vector.load %arg5[%get3A_2, %get3A_3] : memref<32x256xbf16, #tpu.memory_space<vmem>>, vector<32x256xbf16>
    %dot_general3A = arith.constant dense<0.000000e+00> : vector<16x256xf32>
    %dot_general3A_5 = tpu.matmul %get3A_1, %get3A_4, %dot_general3A {dimension_numbers = #tpu.dot_dimension_numbers<[1], [0], [0], [1], [0, 0, 1, 1], [], []>, transpose_lhs_hint = false} : vector<16x32xbf16>, vector<32x256xbf16>, vector<16x256xf32> -> vector<16x256xf32>
    %convert_element_type3A = arith.truncf %dot_general3A_5 : vector<16x256xf32> to vector<16x256xbf16>
    %get3A_6 = arith.constant 0 : index
    %get3A_7 = arith.constant 0 : index
    %get3A_8 = vector.load %arg4[%get3A_6, %get3A_7] : memref<256x64xbf16, #tpu.memory_space<vmem>>, vector<256x64xbf16>
    %get3A_9 = arith.constant 0 : index
    %get3A_10 = arith.constant 0 : index
    %get3A_11 = vector.load %arg6[%get3A_9, %get3A_10] : memref<64x256xbf16, #tpu.memory_space<vmem>>, vector<64x256xbf16>
    %dot_general3A_12 = arith.constant dense<0.000000e+00> : vector<256x256xf32>
    %dot_general3A_13 = tpu.matmul %get3A_8, %get3A_11, %dot_general3A_12 {dimension_numbers = #tpu.dot_dimension_numbers<[1], [0], [0], [1], [0, 0, 1, 1], [], []>, transpose_lhs_hint = false} : vector<256x64xbf16>, vector<64x256xbf16>, vector<256x256xf32> -> vector<256x256xf32>
    %convert_element_type3A_14 = arith.truncf %dot_general3A_13 : vector<256x256xf32> to vector<256x256xbf16>
    %get3A_15 = arith.constant 0 : index
    %get3A_16 = arith.constant 0 : index
    %get3A_17 = arith.constant 0 : index
    %get3A_18 = vector.load %arg1[%get3A_15, %get3A_16, %get3A_17] : memref<1x1x4096xi32, #tpu.memory_space<vmem>>, vector<1x1x4096xi32>
    %get3A_19 = vector.shape_cast %get3A_18 : vector<1x1x4096xi32> to vector<4096xi32>
    %reshape3A = vector.shape_cast %get3A_19 : vector<4096xi32> to vector<4096x1xi32>
    %get3A_20 = arith.constant 0 : index
    %get3A_21 = arith.constant 0 : index
    %get3A_22 = arith.constant 0 : index
    %get3A_23 = vector.load %arg2[%get3A_20, %get3A_21, %get3A_22] : memref<1x1x4096xi32, #tpu.memory_space<vmem>>, vector<1x1x4096xi32>
    %get3A_24 = vector.shape_cast %get3A_23 : vector<1x1x4096xi32> to vector<4096xi32>
    %reshape3A_25 = vector.shape_cast %get3A_24 : vector<4096xi32> to vector<4096x1xi32>
    %iota3A = tpu.iota {dimensions = array<i32: 1>} : vector<4096x16xi32>
    %eq3A = vector.broadcast %reshape3A : vector<4096x1xi32> to vector<4096x16xi32>
    %eq3A_26 = arith.cmpi eq, %eq3A, %iota3A : vector<4096x16xi32>
    %convert_element_type3A_27 = arith.extui %eq3A_26 : vector<4096x16xi1> to vector<4096x16xi32>
    %convert_element_type3A_28 = arith.sitofp %convert_element_type3A_27 : vector<4096x16xi32> to vector<4096x16xf32>
    %convert_element_type3A_29 = arith.truncf %convert_element_type3A_28 : vector<4096x16xf32> to vector<4096x16xbf16>
    %iota3A_30 = tpu.iota {dimensions = array<i32: 1>} : vector<4096x256xi32>
    %eq3A_31 = vector.broadcast %reshape3A_25 : vector<4096x1xi32> to vector<4096x256xi32>
    %eq3A_32 = arith.cmpi eq, %eq3A_31, %iota3A_30 : vector<4096x256xi32>
    %convert_element_type3A_33 = arith.extui %eq3A_32 : vector<4096x256xi1> to vector<4096x256xi32>
    %convert_element_type3A_34 = arith.sitofp %convert_element_type3A_33 : vector<4096x256xi32> to vector<4096x256xf32>
    %convert_element_type3A_35 = arith.truncf %convert_element_type3A_34 : vector<4096x256xf32> to vector<4096x256xbf16>
    %dot_general3A_36 = arith.constant dense<0.000000e+00> : vector<4096x256xf32>
    %dot_general3A_37 = tpu.matmul %convert_element_type3A_29, %convert_element_type3A, %dot_general3A_36 {dimension_numbers = #tpu.dot_dimension_numbers<[1], [0], [0], [1], [0, 0, 1, 1], [], []>, transpose_lhs_hint = false} : vector<4096x16xbf16>, vector<16x256xbf16>, vector<4096x256xf32> -> vector<4096x256xf32>
    %dot_general3A_38 = arith.constant dense<0.000000e+00> : vector<4096x256xf32>
    %dot_general3A_39 = tpu.matmul %convert_element_type3A_35, %convert_element_type3A_14, %dot_general3A_38 {dimension_numbers = #tpu.dot_dimension_numbers<[1], [0], [0], [1], [0, 0, 1, 1], [], []>, transpose_lhs_hint = false} : vector<4096x256xbf16>, vector<256x256xbf16>, vector<4096x256xf32> -> vector<4096x256xf32>
    %add3A = arith.addf %dot_general3A_37, %dot_general3A_39 : vector<4096x256xf32>
    %get3A_40 = arith.constant 0 : index
    %get3A_41 = arith.constant 0 : index
    %get3A_42 = vector.load %arg7[%get3A_40, %get3A_41] : memref<1x256xf32, #tpu.memory_space<vmem>>, vector<1x256xf32>
    %add3A_43 = vector.broadcast %get3A_42 : vector<1x256xf32> to vector<4096x256xf32>
    %add3A_44 = arith.addf %add3A, %add3A_43 : vector<4096x256xf32>
    %convert_element_type3A_45 = arith.truncf %add3A_44 : vector<4096x256xf32> to vector<4096x256xbf16>
    %swap3A = arith.constant 0 : index
    %swap3A_46 = arith.constant 0 : index
    %swap3A_47 = vector.load %arg8[%swap3A, %swap3A_46] : memref<4096x256xbf16, #tpu.memory_space<vmem>>, vector<4096x256xbf16>
    tpu.vector_store %arg8[%swap3A, %swap3A_46], %convert_element_type3A_45 {strides = array<i32>} : memref<4096x256xbf16, #tpu.memory_space<vmem>>, vector<4096x256xbf16>,
    return
  }
  func.func @transform_0(%arg0: i32) -> (i32, i32, i32) {
    %c0_i32 = arith.constant 0 : i32
    %c0_i32_0 = arith.constant 0 : i32
    %c0_i32_1 = arith.constant 0 : i32
    return %arg0, %c0_i32, %c0_i32_0 : i32, i32, i32
  }
  func.func @transform_1(%arg0: i32) -> (i32, i32, i32) {
    %c0_i32 = arith.constant 0 : i32
    %c0_i32_0 = arith.constant 0 : i32
    %c0_i32_1 = arith.constant 0 : i32
    return %arg0, %c0_i32, %c0_i32_0 : i32, i32, i32
  }
  func.func @transform_2(%arg0: i32) -> (i32, i32) {
    %c0_i32 = arith.constant 0 : i32
    %c0_i32_0 = arith.constant 0 : i32
    %c0_i32_1 = arith.constant 0 : i32
    return %c0_i32, %c0_i32_0 : i32, i32
  }
  func.func @transform_3(%arg0: i32) -> (i32, i32) {
    %c0_i32 = arith.constant 0 : i32
    %c0_i32_0 = arith.constant 0 : i32
    %c0_i32_1 = arith.constant 0 : i32
    return %c0_i32, %c0_i32_0 : i32, i32
  }
  func.func @transform_4(%arg0: i32) -> (i32, i32) {
    %c0_i32 = arith.constant 0 : i32
    %c0_i32_0 = arith.constant 0 : i32
    %c0_i32_1 = arith.constant 0 : i32
    return %c0_i32, %c0_i32_0 : i32, i32
  }
  func.func @transform_5(%arg0: i32) -> (i32, i32) {
    %c0_i32 = arith.constant 0 : i32
    %c0_i32_0 = arith.constant 0 : i32
    %c0_i32_1 = arith.constant 0 : i32
    return %c0_i32, %c0_i32_0 : i32, i32
  }
  func.func @transform_6(%arg0: i32) -> (i32, i32) {
    %c0_i32 = arith.constant 0 : i32
    %c0_i32_0 = arith.constant 0 : i32
    %c0_i32_1 = arith.constant 0 : i32
    return %c0_i32, %c0_i32_0 : i32, i32
  }
  func.func @transform_7(%arg0: i32) -> (i32, i32) {
    %c0_i32 = arith.constant 0 : i32
    %c0_i32_0 = arith.constant 0 : i32
    return %arg0, %c0_i32 : i32, i32
  }
}

module attributes {stable_mosaic.version = 14 : i64} {
  func.func @_mlp_body(%arg0: i32, %arg1: memref<2048x128xf32, #tpu.memory_space<vmem>>, %arg2: memref<2048x256xbf16, #tpu.memory_space<vmem>>, %arg3: memref<128x256xbf16, #tpu.memory_space<vmem>>, %arg4: memref<256x256xbf16, #tpu.memory_space<vmem>>, %arg5: memref<1x256xf32, #tpu.memory_space<vmem>>, %arg6: memref<256x128xbf16, #tpu.memory_space<vmem>>, %arg7: memref<1x128xf32, #tpu.memory_space<vmem>>, %arg8: memref<2048x128xf32, #tpu.memory_space<vmem>>) attributes {dimension_semantics = [#tpu.dimension_semantics<arbitrary>], iteration_bounds = array<i64: 4>, scalar_prefetch = 0 : i64, scratch_operands = 0 : i64, tpu.core_type = #tpu.core_type<tc>, window_params = [{transform_indices = @transform_0, window_bounds = array<i64: 2048, 128>}, {transform_indices = @transform_1, window_bounds = array<i64: 2048, 256>}, {pipeline_mode = #tpu.pipeline_mode<synchronous>, transform_indices = @transform_2, window_bounds = array<i64: 128, 256>}, {pipeline_mode = #tpu.pipeline_mode<synchronous>, transform_indices = @transform_3, window_bounds = array<i64: 256, 256>}, {pipeline_mode = #tpu.pipeline_mode<synchronous>, transform_indices = @transform_4, window_bounds = array<i64: 1, 256>}, {pipeline_mode = #tpu.pipeline_mode<synchronous>, transform_indices = @transform_5, window_bounds = array<i64: 256, 128>}, {pipeline_mode = #tpu.pipeline_mode<synchronous>, transform_indices = @transform_6, window_bounds = array<i64: 1, 128>}, {transform_indices = @transform_7, window_bounds = array<i64: 2048, 128>}]} {
    %get3A = arith.constant 0 : index
    %get3A_0 = arith.constant 0 : index
    %get3A_1 = vector.load %arg1[%get3A, %get3A_0] : memref<2048x128xf32, #tpu.memory_space<vmem>>, vector<2048x128xf32>
    %convert_element_type3A = arith.truncf %get3A_1 : vector<2048x128xf32> to vector<2048x128xbf16>
    %get3A_2 = arith.constant 0 : index
    %get3A_3 = arith.constant 0 : index
    %get3A_4 = vector.load %arg3[%get3A_2, %get3A_3] : memref<128x256xbf16, #tpu.memory_space<vmem>>, vector<128x256xbf16>
    %dot_general3A = arith.constant dense<0.000000e+00> : vector<2048x256xf32>
    %dot_general3A_5 = tpu.matmul %convert_element_type3A, %get3A_4, %dot_general3A {dimension_numbers = #tpu.dot_dimension_numbers<[1], [0], [0], [1], [0, 0, 1, 1], [], []>, transpose_lhs_hint = false} : vector<2048x128xbf16>, vector<128x256xbf16>, vector<2048x256xf32> -> vector<2048x256xf32>
    %get3A_6 = arith.constant 0 : index
    %get3A_7 = arith.constant 0 : index
    %get3A_8 = vector.load %arg2[%get3A_6, %get3A_7] : memref<2048x256xbf16, #tpu.memory_space<vmem>>, vector<2048x256xbf16>
    %convert_element_type3A_9 = arith.extf %get3A_8 : vector<2048x256xbf16> to vector<2048x256xf32>
    %add3A = arith.addf %dot_general3A_5, %convert_element_type3A_9 : vector<2048x256xf32>
    %max3A = arith.constant 0.000000e+00 : f32
    %max3A_10 = vector.broadcast %max3A : f32 to vector<2048x256xf32>
    %max3A_11 = arith.maximumf %add3A, %max3A_10 : vector<2048x256xf32>
    %convert_element_type3A_12 = arith.truncf %max3A_11 : vector<2048x256xf32> to vector<2048x256xbf16>
    %get3A_13 = arith.constant 0 : index
    %get3A_14 = arith.constant 0 : index
    %get3A_15 = vector.load %arg4[%get3A_13, %get3A_14] : memref<256x256xbf16, #tpu.memory_space<vmem>>, vector<256x256xbf16>
    %dot_general3A_16 = arith.constant dense<0.000000e+00> : vector<2048x256xf32>
    %dot_general3A_17 = tpu.matmul %convert_element_type3A_12, %get3A_15, %dot_general3A_16 {dimension_numbers = #tpu.dot_dimension_numbers<[1], [0], [0], [1], [0, 0, 1, 1], [], []>, transpose_lhs_hint = false} : vector<2048x256xbf16>, vector<256x256xbf16>, vector<2048x256xf32> -> vector<2048x256xf32>
    %get3A_18 = arith.constant 0 : index
    %get3A_19 = arith.constant 0 : index
    %get3A_20 = vector.load %arg5[%get3A_18, %get3A_19] : memref<1x256xf32, #tpu.memory_space<vmem>>, vector<1x256xf32>
    %add3A_21 = vector.broadcast %get3A_20 : vector<1x256xf32> to vector<2048x256xf32>
    %add3A_22 = arith.addf %dot_general3A_17, %add3A_21 : vector<2048x256xf32>
    %max3A_23 = arith.constant 0.000000e+00 : f32
    %max3A_24 = vector.broadcast %max3A_23 : f32 to vector<2048x256xf32>
    %max3A_25 = arith.maximumf %add3A_22, %max3A_24 : vector<2048x256xf32>
    %convert_element_type3A_26 = arith.truncf %max3A_25 : vector<2048x256xf32> to vector<2048x256xbf16>
    %get3A_27 = arith.constant 0 : index
    %get3A_28 = arith.constant 0 : index
    %get3A_29 = vector.load %arg6[%get3A_27, %get3A_28] : memref<256x128xbf16, #tpu.memory_space<vmem>>, vector<256x128xbf16>
    %dot_general3A_30 = arith.constant dense<0.000000e+00> : vector<2048x128xf32>
    %dot_general3A_31 = tpu.matmul %convert_element_type3A_26, %get3A_29, %dot_general3A_30 {dimension_numbers = #tpu.dot_dimension_numbers<[1], [0], [0], [1], [0, 0, 1, 1], [], []>, transpose_lhs_hint = false} : vector<2048x256xbf16>, vector<256x128xbf16>, vector<2048x128xf32> -> vector<2048x128xf32>
    %get3A_32 = arith.constant 0 : index
    %get3A_33 = arith.constant 0 : index
    %get3A_34 = vector.load %arg7[%get3A_32, %get3A_33] : memref<1x128xf32, #tpu.memory_space<vmem>>, vector<1x128xf32>
    %add3A_35 = vector.broadcast %get3A_34 : vector<1x128xf32> to vector<2048x128xf32>
    %add3A_36 = arith.addf %dot_general3A_31, %add3A_35 : vector<2048x128xf32>
    %swap3A = arith.constant 0 : index
    %swap3A_37 = arith.constant 0 : index
    %swap3A_38 = vector.load %arg8[%swap3A, %swap3A_37] : memref<2048x128xf32, #tpu.memory_space<vmem>>, vector<2048x128xf32>
    tpu.vector_store %arg8[%swap3A, %swap3A_37], %add3A_36 {strides = array<i32>} : memref<2048x128xf32, #tpu.memory_space<vmem>>, vector<2048x128xf32>,
    return
  }
  func.func @transform_0(%arg0: i32) -> (i32, i32) {
    %c0_i32 = arith.constant 0 : i32
    %c0_i32_0 = arith.constant 0 : i32
    return %arg0, %c0_i32 : i32, i32
  }
  func.func @transform_1(%arg0: i32) -> (i32, i32) {
    %add3A = arith.constant 4 : i32
    %add3A_0 = arith.addi %arg0, %add3A : i32
    %c0_i32 = arith.constant 0 : i32
    %c0_i32_1 = arith.constant 0 : i32
    return %add3A_0, %c0_i32 : i32, i32
  }
  func.func @transform_2(%arg0: i32) -> (i32, i32) {
    %c0_i32 = arith.constant 0 : i32
    %c0_i32_0 = arith.constant 0 : i32
    %c0_i32_1 = arith.constant 0 : i32
    return %c0_i32, %c0_i32_0 : i32, i32
  }
  func.func @transform_3(%arg0: i32) -> (i32, i32) {
    %c0_i32 = arith.constant 0 : i32
    %c0_i32_0 = arith.constant 0 : i32
    %c0_i32_1 = arith.constant 0 : i32
    return %c0_i32, %c0_i32_0 : i32, i32
  }
  func.func @transform_4(%arg0: i32) -> (i32, i32) {
    %c0_i32 = arith.constant 0 : i32
    %c0_i32_0 = arith.constant 0 : i32
    %c0_i32_1 = arith.constant 0 : i32
    return %c0_i32, %c0_i32_0 : i32, i32
  }
  func.func @transform_5(%arg0: i32) -> (i32, i32) {
    %c0_i32 = arith.constant 0 : i32
    %c0_i32_0 = arith.constant 0 : i32
    %c0_i32_1 = arith.constant 0 : i32
    return %c0_i32, %c0_i32_0 : i32, i32
  }
  func.func @transform_6(%arg0: i32) -> (i32, i32) {
    %c0_i32 = arith.constant 0 : i32
    %c0_i32_0 = arith.constant 0 : i32
    %c0_i32_1 = arith.constant 0 : i32
    return %c0_i32, %c0_i32_0 : i32, i32
  }
  func.func @transform_7(%arg0: i32) -> (i32, i32) {
    %c0_i32 = arith.constant 0 : i32
    %c0_i32_0 = arith.constant 0 : i32
    return %arg0, %c0_i32 : i32, i32
  }
}

module attributes {stable_mosaic.version = 14 : i64} {
  func.func @_mlp_body(%arg0: i32, %arg1: memref<2048x128xf32, #tpu.memory_space<vmem>>, %arg2: memref<2048x256xbf16, #tpu.memory_space<vmem>>, %arg3: memref<128x256xbf16, #tpu.memory_space<vmem>>, %arg4: memref<256x256xbf16, #tpu.memory_space<vmem>>, %arg5: memref<1x256xf32, #tpu.memory_space<vmem>>, %arg6: memref<256x128xbf16, #tpu.memory_space<vmem>>, %arg7: memref<1x128xf32, #tpu.memory_space<vmem>>, %arg8: memref<2048x128xf32, #tpu.memory_space<vmem>>) attributes {dimension_semantics = [#tpu.dimension_semantics<arbitrary>], iteration_bounds = array<i64: 4>, scalar_prefetch = 0 : i64, scratch_operands = 0 : i64, tpu.core_type = #tpu.core_type<tc>, window_params = [{transform_indices = @transform_0, window_bounds = array<i64: 2048, 128>}, {transform_indices = @transform_1, window_bounds = array<i64: 2048, 256>}, {pipeline_mode = #tpu.pipeline_mode<synchronous>, transform_indices = @transform_2, window_bounds = array<i64: 128, 256>}, {pipeline_mode = #tpu.pipeline_mode<synchronous>, transform_indices = @transform_3, window_bounds = array<i64: 256, 256>}, {pipeline_mode = #tpu.pipeline_mode<synchronous>, transform_indices = @transform_4, window_bounds = array<i64: 1, 256>}, {pipeline_mode = #tpu.pipeline_mode<synchronous>, transform_indices = @transform_5, window_bounds = array<i64: 256, 128>}, {pipeline_mode = #tpu.pipeline_mode<synchronous>, transform_indices = @transform_6, window_bounds = array<i64: 1, 128>}, {transform_indices = @transform_7, window_bounds = array<i64: 2048, 128>}]} {
    %get3A = arith.constant 0 : index
    %get3A_0 = arith.constant 0 : index
    %get3A_1 = vector.load %arg1[%get3A, %get3A_0] : memref<2048x128xf32, #tpu.memory_space<vmem>>, vector<2048x128xf32>
    %convert_element_type3A = arith.truncf %get3A_1 : vector<2048x128xf32> to vector<2048x128xbf16>
    %get3A_2 = arith.constant 0 : index
    %get3A_3 = arith.constant 0 : index
    %get3A_4 = vector.load %arg3[%get3A_2, %get3A_3] : memref<128x256xbf16, #tpu.memory_space<vmem>>, vector<128x256xbf16>
    %dot_general3A = arith.constant dense<0.000000e+00> : vector<2048x256xf32>
    %dot_general3A_5 = tpu.matmul %convert_element_type3A, %get3A_4, %dot_general3A {dimension_numbers = #tpu.dot_dimension_numbers<[1], [0], [0], [1], [0, 0, 1, 1], [], []>, transpose_lhs_hint = false} : vector<2048x128xbf16>, vector<128x256xbf16>, vector<2048x256xf32> -> vector<2048x256xf32>
    %get3A_6 = arith.constant 0 : index
    %get3A_7 = arith.constant 0 : index
    %get3A_8 = vector.load %arg2[%get3A_6, %get3A_7] : memref<2048x256xbf16, #tpu.memory_space<vmem>>, vector<2048x256xbf16>
    %convert_element_type3A_9 = arith.extf %get3A_8 : vector<2048x256xbf16> to vector<2048x256xf32>
    %add3A = arith.addf %dot_general3A_5, %convert_element_type3A_9 : vector<2048x256xf32>
    %max3A = arith.constant 0.000000e+00 : f32
    %max3A_10 = vector.broadcast %max3A : f32 to vector<2048x256xf32>
    %max3A_11 = arith.maximumf %add3A, %max3A_10 : vector<2048x256xf32>
    %convert_element_type3A_12 = arith.truncf %max3A_11 : vector<2048x256xf32> to vector<2048x256xbf16>
    %get3A_13 = arith.constant 0 : index
    %get3A_14 = arith.constant 0 : index
    %get3A_15 = vector.load %arg4[%get3A_13, %get3A_14] : memref<256x256xbf16, #tpu.memory_space<vmem>>, vector<256x256xbf16>
    %dot_general3A_16 = arith.constant dense<0.000000e+00> : vector<2048x256xf32>
    %dot_general3A_17 = tpu.matmul %convert_element_type3A_12, %get3A_15, %dot_general3A_16 {dimension_numbers = #tpu.dot_dimension_numbers<[1], [0], [0], [1], [0, 0, 1, 1], [], []>, transpose_lhs_hint = false} : vector<2048x256xbf16>, vector<256x256xbf16>, vector<2048x256xf32> -> vector<2048x256xf32>
    %get3A_18 = arith.constant 0 : index
    %get3A_19 = arith.constant 0 : index
    %get3A_20 = vector.load %arg5[%get3A_18, %get3A_19] : memref<1x256xf32, #tpu.memory_space<vmem>>, vector<1x256xf32>
    %add3A_21 = vector.broadcast %get3A_20 : vector<1x256xf32> to vector<2048x256xf32>
    %add3A_22 = arith.addf %dot_general3A_17, %add3A_21 : vector<2048x256xf32>
    %max3A_23 = arith.constant 0.000000e+00 : f32
    %max3A_24 = vector.broadcast %max3A_23 : f32 to vector<2048x256xf32>
    %max3A_25 = arith.maximumf %add3A_22, %max3A_24 : vector<2048x256xf32>
    %convert_element_type3A_26 = arith.truncf %max3A_25 : vector<2048x256xf32> to vector<2048x256xbf16>
    %get3A_27 = arith.constant 0 : index
    %get3A_28 = arith.constant 0 : index
    %get3A_29 = vector.load %arg6[%get3A_27, %get3A_28] : memref<256x128xbf16, #tpu.memory_space<vmem>>, vector<256x128xbf16>
    %dot_general3A_30 = arith.constant dense<0.000000e+00> : vector<2048x128xf32>
    %dot_general3A_31 = tpu.matmul %convert_element_type3A_26, %get3A_29, %dot_general3A_30 {dimension_numbers = #tpu.dot_dimension_numbers<[1], [0], [0], [1], [0, 0, 1, 1], [], []>, transpose_lhs_hint = false} : vector<2048x256xbf16>, vector<256x128xbf16>, vector<2048x128xf32> -> vector<2048x128xf32>
    %get3A_32 = arith.constant 0 : index
    %get3A_33 = arith.constant 0 : index
    %get3A_34 = vector.load %arg7[%get3A_32, %get3A_33] : memref<1x128xf32, #tpu.memory_space<vmem>>, vector<1x128xf32>
    %add3A_35 = vector.broadcast %get3A_34 : vector<1x128xf32> to vector<2048x128xf32>
    %add3A_36 = arith.addf %dot_general3A_31, %add3A_35 : vector<2048x128xf32>
    %swap3A = arith.constant 0 : index
    %swap3A_37 = arith.constant 0 : index
    %swap3A_38 = vector.load %arg8[%swap3A, %swap3A_37] : memref<2048x128xf32, #tpu.memory_space<vmem>>, vector<2048x128xf32>
    tpu.vector_store %arg8[%swap3A, %swap3A_37], %add3A_36 {strides = array<i32>} : memref<2048x128xf32, #tpu.memory_space<vmem>>, vector<2048x128xf32>,
    return
  }
  func.func @transform_0(%arg0: i32) -> (i32, i32) {
    %c0_i32 = arith.constant 0 : i32
    %c0_i32_0 = arith.constant 0 : i32
    return %arg0, %c0_i32 : i32, i32
  }
  func.func @transform_1(%arg0: i32) -> (i32, i32) {
    %add3A = arith.constant 0 : i32
    %add3A_0 = arith.addi %arg0, %add3A : i32
    %c0_i32 = arith.constant 0 : i32
    %c0_i32_1 = arith.constant 0 : i32
    return %add3A_0, %c0_i32 : i32, i32
  }
  func.func @transform_2(%arg0: i32) -> (i32, i32) {
    %c0_i32 = arith.constant 0 : i32
    %c0_i32_0 = arith.constant 0 : i32
    %c0_i32_1 = arith.constant 0 : i32
    return %c0_i32, %c0_i32_0 : i32, i32
  }
  func.func @transform_3(%arg0: i32) -> (i32, i32) {
    %c0_i32 = arith.constant 0 : i32
    %c0_i32_0 = arith.constant 0 : i32
    %c0_i32_1 = arith.constant 0 : i32
    return %c0_i32, %c0_i32_0 : i32, i32
  }
  func.func @transform_4(%arg0: i32) -> (i32, i32) {
    %c0_i32 = arith.constant 0 : i32
    %c0_i32_0 = arith.constant 0 : i32
    %c0_i32_1 = arith.constant 0 : i32
    return %c0_i32, %c0_i32_0 : i32, i32
  }
  func.func @transform_5(%arg0: i32) -> (i32, i32) {
    %c0_i32 = arith.constant 0 : i32
    %c0_i32_0 = arith.constant 0 : i32
    %c0_i32_1 = arith.constant 0 : i32
    return %c0_i32, %c0_i32_0 : i32, i32
  }
  func.func @transform_6(%arg0: i32) -> (i32, i32) {
    %c0_i32 = arith.constant 0 : i32
    %c0_i32_0 = arith.constant 0 : i32
    %c0_i32_1 = arith.constant 0 : i32
    return %c0_i32, %c0_i32_0 : i32, i32
  }
  func.func @transform_7(%arg0: i32) -> (i32, i32) {
    %c0_i32 = arith.constant 0 : i32
    %c0_i32_0 = arith.constant 0 : i32
    return %arg0, %c0_i32 : i32, i32
  }
}

</mosaic_0001>

<sc_bundles>
// kernel: kernel.10.cloned.1.call-start
scs
__scs_entry_jumppad:
0x0: {  	(pc) =	sbr.rel $0x88, $3  }
0x1: {  	(tag) =	ssettag $0x0;
	lr =	simm.s32 $0x1  }
0x2: {  	[smem:$0x3F95] =	sst lr;
	_ =	strace $0xD0000000  }
0x3: {  	_ = 	snop  }
0x4: {  	_ = 	snop  }
0x5: {  	_ = 	snop  }
0x6: {  	_ = 	snop  }
0x7: {  	_ = 	snop  }
__scs_overlays_trampoline_lowered:
0x8: {  	[smem:$0x3FA4] =	sst s0  }
0x9: {  	[smem:$0x3FA5] =	sst s1  }
0xa: {  	[smem:$0x3FA6] =	sst s2  }
0xb: {  	[smem:$0x3FA7] =	sst s3  }
0xc: {  	[smem:$0x3FA8] =	sst s4  }
0xd: {  	[smem:$0x3FA9] =	sst s5  }
0xe: {  	[smem:$0x3FAA] =	sst s6  }
0xf: {  	[smem:$0x3FAB] =	sst s7  }
0x10: {  	[smem:$0x3FAC] =	sst s8  }
0x11: {  	[smem:$0x3FAD] =	sst s9;
	s0 =	simm.s32 @!p0 $0x0  }
0x12: {  	s1 =	sld [smem:$0x3F93];
	s0 =	simm.s32 @p0 $0x1  }
0x13: {  	[smem:$0x3FAE] =	sst s0;
	s0 =	simm.s32 @!p1 $0x0  }
0x14: {  	s2 =	sld [smem:$0x3F92];
	s0 =	simm.s32 @p1 $0x1  }
0x15: {  	[smem:$0x3FAF] =	sst s0;
	s0 =	simm.s32 @!p2 $0x0  }
0x16: {  	s3 =	sld [smem:$0x3FDB];
	s0 =	simm.s32 @p2 $0x1  }
0x17: {  	s4 =	simm.s32 $0x1BF5;
	[smem:$0x3FB1] =	sst s0  }
0x18: {  	s0 =	sld [smem:$0x3F94];
	_ =	swait.ge [sflag:s4], $0x0  }
0x19: {  	s7 =	sld [smem:$0x3F95]  }
0x1a: {  	s8 =	sadd.s32 $0xFFFFE003, lr  }
0x1b: {  	s9 =	sadd.s32 $0xFFFFFEF7, lr;
	s5 =	simm.s32 $0xFFFFFFFF;
	p2 =	slt.u32 s8, $0xFFFFF086  }
0x1c: {  	p1 =	slt.u32 s9, $0xF7A;
	s5 =	simm.s32 @!p2 $0x0  }
0x1d: {  	s5 =	simm.s32 @p1 $0x1;
	p0 =	seq.s32 s7, s2  }
0x1e: {  	s7 =	smul.u32 @!p0 $0xF7A, s2;
	p2 =	seq.s32 @!p0 s5, $0x0  }
0x1f: {  	s9 =	smul.u32 $0xF7A, s1;
	s8 =	simm.s32 @!p0 $0x1BF5;
	p2 =	por !p2, p0  }
0x20: {  	[sflag:s8] =	ssyncset.s32 @!p0 $0xFFFFF086;
	s6 =	sadd.s32 @!p0 s3, s7;
	s7 =	simm.s32 @!p0 $0x108  }
0x21: {  	s3 =	sadd.s32 s3, s9;
	s6 =	sadd.s32 @!p0 $0x88, s6;
	s7 =	simm.s32 @p2 $0x1082  }
0x22: {  	[simem:s7], [sflag:s8] =	dma.local @!p0 [hbm:s6], $0xF7A  }
0x23: {  	s9 =	sor.u32 $0xD0000000, s2;
	s6 =	simm.s32 $0x108;
	_ =	swait.ge @!p0 [sflag:s8], $0x0  }
0x24: {  	s3 =	sadd.s32 $0x88, s3;
	s6 =	simm.s32 @!p1 $0x1082;
	[sflag:s4] =	ssyncset.s32 $0xFFFFF086  }
0x25: {  	[simem:s6], [sflag:s4] =	dma.local [hbm:s3], $0xF7A  }
0x26: {  	[smem:$0x3F95] =	sst s1;
	(tag) =	ssettag s2;
	_ =	strace s9  }
0x27: {  	s1 =	sld [smem:$0x3FA5]  }
0x28: {  	s2 =	sld [smem:$0x3FA6]  }
0x29: {  	s4 =	sld [smem:$0x3FA8]  }
0x2a: {  	p0 =	seq.s32 s5, $0x0;
	s5 =	sld [smem:$0x3FA9]  }
0x2b: {  	s6 =	sld [smem:$0x3FAA]  }
0x2c: {  	s7 =	sld [smem:$0x3FAB]  }
0x2d: {  	s3 =	simm.s32 $0x108;
	s8 =	sld [smem:$0x3FAC]  }
0x2e: {  	s3 =	simm.s32 @!p0 $0x1082;
	s9 =	sld [smem:$0x3FAD]  }
0x2f: {  	lr =	sadd.s32 s0, s3;
	s0 =	sld [smem:$0x3FA4]  }
0x30: {  	s3 =	sld [smem:$0x3FA7]  }
0x31: {  	[smem:$0x3FB0] =	sst s10  }
0x32: {  	s10 =	sld [smem:$0x3FAE];
	_ =	sdelay $0x3  }
0x33: {  	p0 =	seq.s32 s10, $0x1;
	s10 =	sld [smem:$0x3FB0];
	_ =	sdelay $0x3  }
0x34: {  	[smem:$0x3FB0] =	sst s10  }
0x35: {  	s10 =	sld [smem:$0x3FAF];
	_ =	sdelay $0x3  }
0x36: {  	p1 =	seq.s32 s10, $0x1;
	s10 =	sld [smem:$0x3FB0];
	_ =	sdelay $0x3  }
0x37: {  	[smem:$0x3FB0] =	sst s10  }
0x38: {  	s10 =	sld [smem:$0x3FB1]  }
0x39: {  	_ = 	snop;
	(pc) =	sbr.ind lr, $3  }
0x3a: {  	_ = 	snop  }
0x3b: {  	_ = 	snop  }
0x3c: {  	p2 =	seq.s32 s10, $0x1;
	s10 =	sld [smem:$0x3FB0]  }
0x3d: {  	_ =	shalt  }
0x3e: {  	_ =	shalt  }
0x3f: {  	_ =	shalt  }
0x40: {  	_ =	shalt  }
0x41: {  	_ =	shalt  }
0x42: {  	_ =	shalt  }
0x43: {  	_ =	shalt  }
0x44: {  	_ =	shalt  }
0x45: {  	_ =	shalt  }
0x46: {  	_ =	shalt  }
0x47: {  	_ =	shalt  }
0x48: {  	_ =	shalt  }
0x49: {  	_ =	shalt  }
0x4a: {  	_ =	shalt  }
0x4b: {  	_ =	shalt  }
0x4c: {  	_ =	shalt  }
0x4d: {  	_ =	shalt  }
0x4e: {  	_ =	shalt  }
0x4f: {  	_ =	shalt  }
0x50: {  	_ =	shalt  }
0x51: {  	_ =	shalt  }
0x52: {  	_ =	shalt  }
0x53: {  	_ =	shalt  }
0x54: {  	_ =	shalt  }
0x55: {  	_ =	shalt  }
0x56: {  	_ =	shalt  }
0x57: {  	_ =	shalt  }
0x58: {  	_ =	shalt  }
0x59: {  	_ =	shalt  }
0x5a: {  	_ =	shalt  }
0x5b: {  	_ =	shalt  }
0x5c: {  	_ =	shalt  }
0x5d: {  	_ =	shalt  }
0x5e: {  	_ =	shalt  }
0x5f: {  	_ =	shalt  }
0x60: {  	_ =	shalt  }
0x61: {  	_ =	shalt  }
0x62: {  	_ =	shalt  }
0x63: {  	_ =	shalt  }
0x64: {  	_ =	shalt  }
0x65: {  	_ =	shalt  }
0x66: {  	_ =	shalt  }
0x67: {  	_ =	shalt  }
0x68: {  	_ =	shalt  }
0x69: {  	_ =	shalt  }
0x6a: {  	_ =	shalt  }
0x6b: {  	_ =	shalt  }
0x6c: {  	_ =	shalt  }
0x6d: {  	_ =	shalt  }
0x6e: {  	_ =	shalt  }
0x6f: {  	_ =	shalt  }
0x70: {  	_ =	shalt  }
0x71: {  	_ =	shalt  }
0x72: {  	_ =	shalt  }
0x73: {  	_ =	shalt  }
0x74: {  	_ =	shalt  }
0x75: {  	_ =	shalt  }
0x76: {  	_ =	shalt  }
0x77: {  	_ =	shalt  }
0x78: {  	_ =	shalt  }
0x79: {  	_ =	shalt  }
0x7a: {  	_ =	shalt  }
0x7b: {  	_ =	shalt  }
0x7c: {  	_ =	shalt  }
0x7d: {  	_ =	shalt  }
0x7e: {  	_ =	shalt  }
0x7f: {  	_ =	shalt  }
0x80: {  	_ =	shalt  }
0x81: {  	_ =	shalt  }
0x82: {  	_ =	shalt  }
0x83: {  	_ =	shalt  }
0x84: {  	_ =	shalt  }
0x85: {  	_ =	shalt  }
0x86: {  	_ =	shalt  }
0x87: {  	_ =	shalt  }
.Lfunc_end0:
.L_simem_size_0:
called_computation.1_lowered:
.L_overlay_start_0:
0x88: {  	s2 =	sld [smem:$0x3FD9]  }
0x89: {  	s3 =	sld [smem:$0x3FFE];
	_ =	sdelay $0x1  }
0x8a: {  	s1 =	srdreg.scid  }
0x8b: {  	s0 =	sand.u32 $0x1, s1  }
0x8c: {  	s17 =	sshll.u32 s0, $0xA;
	s2 =	sadd.s32 s3, s2  }
0x8d: {  	s2 =	sadd.s32 s2, s17  }
0x8e: {  	[smem:$0x3FBC] =	sst s2  }
0x8f: {  	_ = 	snop  }
0x90: {  	s2 =	sld [smem:$0x3FC6];
	(tm) =	ssettm $0x1  }
0x91: {  	s18 =	sld [smem:$0x3FFB];
	_ =	sdelay $0x3  }
0x92: {  	_ =	strace s18  }
0x93: {  	s3 =	sld [smem:$0x3FFC];
	_ =	sdelay $0x3  }
0x94: {  	_ =	strace s3  }
0x95: {  	s3 =	sld [smem:$0x3FFD];
	_ =	sdelay $0x3  }
0x96: {  	_ =	strace s3  }
0x97: {  	_ =	strace $0x8FFFFFFF  }
0x98: {  	s19 =	sld [smem:$0x3FDB];
	_ =	sdelay $0x1  }
0x99: {  	s4 =	simm.s32 $_scs_section_size  }
0x9a: {  	s5 =	simm.s32 $_size__tile_overlayer_lowered;
	s6 =	simm.s32 $_tile_overlayer_lowered  }
0x9b: {  	s22 =	simm.s32 $0x1BFF;
	s21 =	sshll.u32 s6, $0x1;
	s3 =	sadd.s32 s4, s19  }
0x9c: {  	s7 =	simm.s32 $0x0;
	s20 =	sshll.u32 s5, $0x1;
	s5 =	sadd.s32 s21, s3  }
0x9d: {  	[timem:s7], [sflag:s22] =	dma.local [hbm:s5], s20  }
0x9e: {  	_ =	swait.ge [sflag:s22], s20  }
0x9f: {  	s4 =	ssub.s32 $0x0, s20;
	[sflag:s22] =	ssyncset.done $0x0  }
0xa0: {  	[sflag:s22] =	ssyncadd.s32 s4;
	_ =	sdelay $0x1  }
0xa1: {  	s23 =	simm.s32 $0x1B8B  }
0xa2: {  	_ =	swait.ge [sflag:s23], $0x1  }
0xa3: {  	[sflag:s23] =	ssyncset.done $0x0  }
0xa4: {  	s25 =	simm.s32 $0x1B8E;
	s24 =	sld [smem:$0x3FFE];
	[sflag:s23] =	ssyncadd.s32 $0xFFFFFFFF  }
0xa5: {  	s26 =	simm.s32 $execute0_lowered;
	[smem:$0x3FD2] =	sst s25  }
0xa6: {  	s5 =	sshll.u32 s26, $0x1;
	_ =	strace $0x80000046;
	[dreg:$0x1] =	wrdreg $0xFFFFFFFF  }
0xa7: {  	s28 =	simm.s32 $_size_execute0_lowered;
	s3 =	sadd.s32 s3, s5;
	[dreg:$0x0] =	wrdreg $0x0  }
0xa8: {  	s5 =	sshll.u32 s28, $0x1;
	[dreg:$0x2] =	wrdreg s3  }
0xa9: {  	[dreg:$0x3] =	wrdreg s5  }
0xaa: {  	[dreg:$0x4] =	wrdreg $0xC0  }
0xab: {  	_ =	task [dreg:s7], $0x5FFFF  }
0xac: {  	[dreg:$0x1] =	wrdreg $0xFFFFFFFF  }
0xad: {  	[dreg:$0x0] =	wrdreg $0x60  }
0xae: {  	[dreg:$0x2] =	wrdreg s24  }
0xaf: {  	[dreg:$0x3] =	wrdreg s2  }
0xb0: {  	[dreg:$0x4] =	wrdreg $0xA  }
0xb1: {  	_ =	task.clear_ibuf [dreg:s7], $0x5FFFF;
	_ =	strace $0x90000046  }
0xb2: {  	s29 =	simm.s32 $0xA;
	_ =	strace $0x80000048  }
0xb3: {  	_ =	swait.ge [sflag:s29], $0x1  }
0xb4: {  	[sflag:s29] =	ssyncadd.s32 $0xFFFFFFFF  }
0xb5: {  	_ =	strace $0x90000048  }
0xb6: {  	_ =	sfence  }
0xb7: {  	s30 =	sld [smem:$0x0];
	_ =	sdelay $0x2  }
0xb8: {  	s31 =	sshll.u32 s1, $0xD;
	s1 =	sshrl.u32 s1, $0x2  }
0xb9: {  	s3 =	sand.u32 $0x4000, s31;
	s1 =	sadd.s32 s1, s30  }
0xba: {  	s0 =	sor.u32 s3, s0;
	s1 =	sshll.u32 s1, $0x11  }
0xbb: {  	s0 =	sor.u32 s1, s0  }
0xbc: {  	s0 =	sadd.s32 $0x8F2B, s0  }
0xbd: {  	[sflag:s0] =	ssyncadd.remote.s32 $0x1  }
0xbe: {  	_ =	sfence.sel $0xFFFF  }
0xbf: {  	[dreg:$0x0] =	wrdreg $0xFFFFFFFF;
	(pc) =	sbr.abs _section_cstart, $3  }
0xc0: {  	[dreg:$0x1] =	wrdreg $0xFFFFFFFF  }
0xc1: {  	_ =	task.clear_ibuf [dreg:s7], $0x2FFFF;
	_ =	strace $0x9FFFFFFF  }
0xc2: {  	(tm) =	ssettm $0x7FFFFFFF  }
0xc3: {  	_ =	shalt  }
tec
execute0_lowered:
.L_overlay_start_1:
0x0: {  	(tag) =	ssettag $0x1  }
0x1: {  	s1 =	srdreg.scid  }
0x2: {  	s0 =	stileid.u32;
	s12 =	sand.u32 $0x1, s1  }
0x3: {  	s31 =	sshll.u32 s0, $0x9;
	s3 =	sshll.u32 s12, $0x8  }
0x4: {  	s10 =	rddreg [dreg:$0x0];
	s11 =	sor.u32 s3, s31  }
0x5: {  	s2 =	rddreg [dreg:$0x1];
	s3 =	simm.s32 $0x0;
	s4 =	sshrl.u32 s11, $0x3  }
0x6: {  	s5 =	simm.s32 $0x4;
	[smem:$0x7FF] =	sst s3;
	s4 =	sadd.s32 s4, s10  }
0x7: {  	s1 =	rddreg [dreg:$0x2];
	_ =	strace $0x80000047;
	s4 =	sadd.s32 $0x2200, s4  }
0x8: {  	[tilespmem:s3], [sflag:$0x4] =	stream.linear.gather [hbm4b:s4+s3], $0x100, $0x38;
	[tilespmem:$0x8100] =	vst v63  }
0x9: {  	_ =	swait.ge [sflag:s5], $0x100  }
0xa: {  	[sflag:s5] =	ssyncset.done $0x0  }
0xb: {  	s6 =	simm.s32 $0x80;
	s7 =	simm.s32 $0x100;
	[sflag:s5] =	ssyncadd.s32 $0xFFFFFF00  }
0xc: {  	[tilespmem:s7], [sflag:$0x1] =	stream.indirect.gather [hbm4b:s2+s6], $0x80, s3, s6, $0xb8;
	[tilespmem:$0x8100] =	vst v63  }
0xd: {  	s8 =	simm.s32 $0x4100;
	s9 =	simm.s32 $0x1  }
0xe: {  	[tilespmem:s8], [sflag:$0x2] =	stream.indirect.gather [hbm4b:s2+s6], $0x80, s6, s6, $0xb8;
	[tilespmem:$0x8100] =	vst v63  }
0xf: {  	s14 =	ssub.s32 $0x2, s12;
	s11 =	sshll.u32 s11, $0x4;
	_ =	swait.ge [sflag:s9], $0x4000  }
0x10: {  	s15 =	sshrl.u32 s14, $0x1;
	s13 =	sadd.s32 s11, s10;
	[sflag:s9] =	ssyncset.done $0x0  }
0x11: {  	s11 =	simm.s32 $0x2;
	s10 =	sadd.s32 $0x2600, s13;
	[sflag:s9] =	ssyncadd.s32 $0xFFFFC000  }
0x12: {  	[hbm4b:s10+s3] =	stream.linear.scatter [tilespmem:s7], [sflag:$0x3], $0x4000, $0x38;
	[tilespmem:$0x8100] =	vst v63  }
0x13: {  	s14 =	ssub.s32 s14, s15;
	_ =	swait.ge [sflag:s11], $0x4000  }
0x14: {  	s12 =	simm.s32 $0x3;
	s14 =	smax.u32 s14, $0x1;
	[sflag:s11] =	ssyncset.done $0x0  }
0x15: {  	s13 =	sadd.s32 $0x2E00, s13;
	p0 =	sne.s32 s14, $0x1;
	[sflag:s11] =	ssyncadd.s32 $0xFFFFC000  }
0x16: {  	[hbm4b:s13+s3] =	stream.linear.scatter [tilespmem:s8], [sflag:$0x3], $0x4000, $0x38;
	[tilespmem:$0x8100] =	vst v63  }
.Ltmp0:
0x17: {  	_ =	swait.ge [sflag:s12], $0x4000;
	(pc) =	sbr.rel @!p0 .LBB2_2-.Ltmp0, $4  }
0x18: {  	[sflag:s12] =	ssyncset.done $0x0  }
0x19: {  	[sflag:s12] =	ssyncadd.s32 $0xFFFFC000  }
0x1a: {  	_ =	swait.ge [sflag:s12], $0x4000  }
0x1b: {  	s14 =	sadd.s32 $0xFFFFFFFF, s14;
	[sflag:s12] =	ssyncset.done $0x0  }
.LBB2_1:
0x1c: {  	p0 =	sne.s32 s14, $0x1;
	s14 =	sadd.s32 $0xFFFFFFFF, s14;
	[sflag:s12] =	ssyncadd.s32 $0xFFFFC000  }
0x1d: {  	[tilespmem:s3], [sflag:$0x4] =	stream.linear.gather [hbm4b:s4+s3], $0x100, $0x38;
	[tilespmem:$0x8100] =	vst v63  }
0x1e: {  	_ =	swait.ge [sflag:s5], $0x100  }
0x1f: {  	[sflag:s5] =	ssyncset.done $0x0  }
0x20: {  	[sflag:s5] =	ssyncadd.s32 $0xFFFFFF00  }
0x21: {  	[tilespmem:s7], [sflag:$0x1] =	stream.indirect.gather [hbm4b:s2+s6], $0x80, s3, s6, $0xb8;
	[tilespmem:$0x8100] =	vst v63  }
0x22: {  	_ = 	snop  }
0x23: {  	[tilespmem:s8], [sflag:$0x2] =	stream.indirect.gather [hbm4b:s2+s6], $0x80, s6, s6, $0xb8;
	[tilespmem:$0x8100] =	vst v63  }
0x24: {  	_ =	swait.ge [sflag:s9], $0x4000  }
0x25: {  	[sflag:s9] =	ssyncset.done $0x0  }
0x26: {  	[sflag:s9] =	ssyncadd.s32 $0xFFFFC000  }
0x27: {  	[hbm4b:s10+s3] =	stream.linear.scatter [tilespmem:s7], [sflag:$0x3], $0x4000, $0x38;
	[tilespmem:$0x8100] =	vst v63  }
0x28: {  	_ =	swait.ge [sflag:s11], $0x4000  }
0x29: {  	[sflag:s11] =	ssyncset.done $0x0  }
0x2a: {  	[sflag:s11] =	ssyncadd.s32 $0xFFFFC000  }
0x2b: {  	[hbm4b:s13+s3] =	stream.linear.scatter [tilespmem:s8], [sflag:$0x3], $0x4000, $0x38;
	[tilespmem:$0x8100] =	vst v63  }
.Ltmp1:
0x2c: {  	_ =	swait.ge [sflag:s12], $0x4000;
	(pc) =	sbr.rel @p0 .LBB2_1-.Ltmp1, $4  }
0x2d: {  	[sflag:s12] =	ssyncset.done $0x0  }
0x2e: {  	[sflag:s12] =	ssyncadd.s32 $0xFFFFC000  }
0x2f: {  	_ =	swait.ge [sflag:s12], $0x4000  }
0x30: {  	[sflag:s12] =	ssyncset.done $0x0  }
.LBB2_2:
0x31: {  	[sflag:s12] =	ssyncadd.s32 $0xFFFFC000  }
0x32: {  	_ =	sfence.sel $0x180000  }
0x33: {  	[bflag:$0x0] =	sbarrier.arrive $0xFFFF  }
0x34: {  	p0 =	sne.s32 s0, $0x0;
	_ =	strace $0x90000047  }
0x35: {  	s0 =	sadd.s32 @!p0 $0x100000, s1;
	[bflag:$0x2] =	sbarrier.arrive $0xFFFF  }
0x36: {  	[sflag:s0] =	ssyncadd.tile.s32 @!p0 $0x1;
	_ =	shalt  }
.Lfunc_end2:
_tile_overlayer_lowered:
.L_overlay_start_2:
0x37: {  	(tag) =	ssettag $0x2  }
0x38: {  	s0 =	rddreg [dreg:$0x0];
	s2 =	stileid.u32  }
0x39: {  	s1 =	rddreg [dreg:$0x1];
	p0 =	sne.s32 s2, $0x0  }
0x3a: {  	s3 =	rddreg [dreg:$0x2];
	[bflag:$0x3] =	sbarrier.arrive $0xFFFF;
	s2 =	simm.s32 @!p0 $0x1C04  }
0x3b: {  	[timem:s3], [sflag:s2] =	dma.local @!p0 [hbm:s0], s1  }
0x3c: {  	s0 =	simm.s32 @!p0 $0x4  }
0x3d: {  	_ =	swait.ge @!p0 [sflag:s0], s1  }
0x3e: {  	s1 =	ssub.s32 @!p0 $0x0, s1;
	[sflag:s0] =	ssyncset.done @!p0 $0x0  }
0x3f: {  	[sflag:s0] =	ssyncadd.s32 @!p0 s1  }
0x40: {  	[bflag:$0x3] =	sbarrier.arrive $0xFFFF  }
0x41: {  	_ =	shalt  }

// kernel: kernel.7.cloned.1.call-start
scs
__scs_entry_jumppad:
0x0: {  	(pc) =	sbr.rel $0x88, $3  }
0x1: {  	(tag) =	ssettag $0x0;
	lr =	simm.s32 $0x1  }
0x2: {  	[smem:$0x3F95] =	sst lr;
	_ =	strace $0xD0000000  }
0x3: {  	_ = 	snop  }
0x4: {  	_ = 	snop  }
0x5: {  	_ = 	snop  }
0x6: {  	_ = 	snop  }
0x7: {  	_ = 	snop  }
__scs_overlays_trampoline_lowered:
0x8: {  	[smem:$0x3FA4] =	sst s0  }
0x9: {  	[smem:$0x3FA5] =	sst s1  }
0xa: {  	[smem:$0x3FA6] =	sst s2  }
0xb: {  	[smem:$0x3FA7] =	sst s3  }
0xc: {  	[smem:$0x3FA8] =	sst s4  }
0xd: {  	[smem:$0x3FA9] =	sst s5  }
0xe: {  	[smem:$0x3FAA] =	sst s6  }
0xf: {  	[smem:$0x3FAB] =	sst s7  }
0x10: {  	[smem:$0x3FAC] =	sst s8  }
0x11: {  	[smem:$0x3FAD] =	sst s9;
	s0 =	simm.s32 @!p0 $0x0  }
0x12: {  	s1 =	sld [smem:$0x3F93];
	s0 =	simm.s32 @p0 $0x1  }
0x13: {  	[smem:$0x3FAE] =	sst s0;
	s0 =	simm.s32 @!p1 $0x0  }
0x14: {  	s2 =	sld [smem:$0x3F92];
	s0 =	simm.s32 @p1 $0x1  }
0x15: {  	[smem:$0x3FAF] =	sst s0;
	s0 =	simm.s32 @!p2 $0x0  }
0x16: {  	s3 =	sld [smem:$0x3FDB];
	s0 =	simm.s32 @p2 $0x1  }
0x17: {  	s4 =	simm.s32 $0x1BF5;
	[smem:$0x3FB1] =	sst s0  }
0x18: {  	s0 =	sld [smem:$0x3F94];
	_ =	swait.ge [sflag:s4], $0x0  }
0x19: {  	s7 =	sld [smem:$0x3F95]  }
0x1a: {  	s8 =	sadd.s32 $0xFFFFE003, lr  }
0x1b: {  	s9 =	sadd.s32 $0xFFFFFEF7, lr;
	s5 =	simm.s32 $0xFFFFFFFF;
	p2 =	slt.u32 s8, $0xFFFFF086  }
0x1c: {  	p1 =	slt.u32 s9, $0xF7A;
	s5 =	simm.s32 @!p2 $0x0  }
0x1d: {  	s5 =	simm.s32 @p1 $0x1;
	p0 =	seq.s32 s7, s2  }
0x1e: {  	s7 =	smul.u32 @!p0 $0xF7A, s2;
	p2 =	seq.s32 @!p0 s5, $0x0  }
0x1f: {  	s9 =	smul.u32 $0xF7A, s1;
	s8 =	simm.s32 @!p0 $0x1BF5;
	p2 =	por !p2, p0  }
0x20: {  	[sflag:s8] =	ssyncset.s32 @!p0 $0xFFFFF086;
	s6 =	sadd.s32 @!p0 s3, s7;
	s7 =	simm.s32 @!p0 $0x108  }
0x21: {  	s3 =	sadd.s32 s3, s9;
	s6 =	sadd.s32 @!p0 $0x88, s6;
	s7 =	simm.s32 @p2 $0x1082  }
0x22: {  	[simem:s7], [sflag:s8] =	dma.local @!p0 [hbm:s6], $0xF7A  }
0x23: {  	s9 =	sor.u32 $0xD0000000, s2;
	s6 =	simm.s32 $0x108;
	_ =	swait.ge @!p0 [sflag:s8], $0x0  }
0x24: {  	s3 =	sadd.s32 $0x88, s3;
	s6 =	simm.s32 @!p1 $0x1082;
	[sflag:s4] =	ssyncset.s32 $0xFFFFF086  }
0x25: {  	[simem:s6], [sflag:s4] =	dma.local [hbm:s3], $0xF7A  }
0x26: {  	[smem:$0x3F95] =	sst s1;
	(tag) =	ssettag s2;
	_ =	strace s9  }
0x27: {  	s1 =	sld [smem:$0x3FA5]  }
0x28: {  	s2 =	sld [smem:$0x3FA6]  }
0x29: {  	s4 =	sld [smem:$0x3FA8]  }
0x2a: {  	p0 =	seq.s32 s5, $0x0;
	s5 =	sld [smem:$0x3FA9]  }
0x2b: {  	s6 =	sld [smem:$0x3FAA]  }
0x2c: {  	s7 =	sld [smem:$0x3FAB]  }
0x2d: {  	s3 =	simm.s32 $0x108;
	s8 =	sld [smem:$0x3FAC]  }
0x2e: {  	s3 =	simm.s32 @!p0 $0x1082;
	s9 =	sld [smem:$0x3FAD]  }
0x2f: {  	lr =	sadd.s32 s0, s3;
	s0 =	sld [smem:$0x3FA4]  }
0x30: {  	s3 =	sld [smem:$0x3FA7]  }
0x31: {  	[smem:$0x3FB0] =	sst s10  }
0x32: {  	s10 =	sld [smem:$0x3FAE];
	_ =	sdelay $0x3  }
0x33: {  	p0 =	seq.s32 s10, $0x1;
	s10 =	sld [smem:$0x3FB0];
	_ =	sdelay $0x3  }
0x34: {  	[smem:$0x3FB0] =	sst s10  }
0x35: {  	s10 =	sld [smem:$0x3FAF];
	_ =	sdelay $0x3  }
0x36: {  	p1 =	seq.s32 s10, $0x1;
	s10 =	sld [smem:$0x3FB0];
	_ =	sdelay $0x3  }
0x37: {  	[smem:$0x3FB0] =	sst s10  }
0x38: {  	s10 =	sld [smem:$0x3FB1]  }
0x39: {  	_ = 	snop;
	(pc) =	sbr.ind lr, $3  }
0x3a: {  	_ = 	snop  }
0x3b: {  	_ = 	snop  }
0x3c: {  	p2 =	seq.s32 s10, $0x1;
	s10 =	sld [smem:$0x3FB0]  }
0x3d: {  	_ =	shalt  }
0x3e: {  	_ =	shalt  }
0x3f: {  	_ =	shalt  }
0x40: {  	_ =	shalt  }
0x41: {  	_ =	shalt  }
0x42: {  	_ =	shalt  }
0x43: {  	_ =	shalt  }
0x44: {  	_ =	shalt  }
0x45: {  	_ =	shalt  }
0x46: {  	_ =	shalt  }
0x47: {  	_ =	shalt  }
0x48: {  	_ =	shalt  }
0x49: {  	_ =	shalt  }
0x4a: {  	_ =	shalt  }
0x4b: {  	_ =	shalt  }
0x4c: {  	_ =	shalt  }
0x4d: {  	_ =	shalt  }
0x4e: {  	_ =	shalt  }
0x4f: {  	_ =	shalt  }
0x50: {  	_ =	shalt  }
0x51: {  	_ =	shalt  }
0x52: {  	_ =	shalt  }
0x53: {  	_ =	shalt  }
0x54: {  	_ =	shalt  }
0x55: {  	_ =	shalt  }
0x56: {  	_ =	shalt  }
0x57: {  	_ =	shalt  }
0x58: {  	_ =	shalt  }
0x59: {  	_ =	shalt  }
0x5a: {  	_ =	shalt  }
0x5b: {  	_ =	shalt  }
0x5c: {  	_ =	shalt  }
0x5d: {  	_ =	shalt  }
0x5e: {  	_ =	shalt  }
0x5f: {  	_ =	shalt  }
0x60: {  	_ =	shalt  }
0x61: {  	_ =	shalt  }
0x62: {  	_ =	shalt  }
0x63: {  	_ =	shalt  }
0x64: {  	_ =	shalt  }
0x65: {  	_ =	shalt  }
0x66: {  	_ =	shalt  }
0x67: {  	_ =	shalt  }
0x68: {  	_ =	shalt  }
0x69: {  	_ =	shalt  }
0x6a: {  	_ =	shalt  }
0x6b: {  	_ =	shalt  }
0x6c: {  	_ =	shalt  }
0x6d: {  	_ =	shalt  }
0x6e: {  	_ =	shalt  }
0x6f: {  	_ =	shalt  }
0x70: {  	_ =	shalt  }
0x71: {  	_ =	shalt  }
0x72: {  	_ =	shalt  }
0x73: {  	_ =	shalt  }
0x74: {  	_ =	shalt  }
0x75: {  	_ =	shalt  }
0x76: {  	_ =	shalt  }
0x77: {  	_ =	shalt  }
0x78: {  	_ =	shalt  }
0x79: {  	_ =	shalt  }
0x7a: {  	_ =	shalt  }
0x7b: {  	_ =	shalt  }
0x7c: {  	_ =	shalt  }
0x7d: {  	_ =	shalt  }
0x7e: {  	_ =	shalt  }
0x7f: {  	_ =	shalt  }
0x80: {  	_ =	shalt  }
0x81: {  	_ =	shalt  }
0x82: {  	_ =	shalt  }
0x83: {  	_ =	shalt  }
0x84: {  	_ =	shalt  }
0x85: {  	_ =	shalt  }
0x86: {  	_ =	shalt  }
0x87: {  	_ =	shalt  }
.Lfunc_end0:
.L_simem_size_0:
called_computation_lowered:
.L_overlay_start_0:
0x88: {  	s2 =	sld [smem:$0x3FD9]  }
0x89: {  	s3 =	sld [smem:$0x3FFE];
	_ =	sdelay $0x1  }
0x8a: {  	s1 =	srdreg.scid  }
0x8b: {  	s0 =	sand.u32 $0x1, s1  }
0x8c: {  	s17 =	sshll.u32 s0, $0xA;
	s2 =	sadd.s32 s3, s2  }
0x8d: {  	s2 =	sadd.s32 s2, s17  }
0x8e: {  	[smem:$0x3FBC] =	sst s2  }
0x8f: {  	_ = 	snop  }
0x90: {  	s18 =	sld [smem:$0x3FC6]  }
0x91: {  	s4 =	sld [smem:$0x3FD0];
	(tm) =	ssettm $0x1  }
0x92: {  	s19 =	sld [smem:$0x3FFB];
	_ =	sdelay $0x3  }
0x93: {  	_ =	strace s19  }
0x94: {  	s2 =	sld [smem:$0x3FFC];
	_ =	sdelay $0x3  }
0x95: {  	_ =	strace s2  }
0x96: {  	s2 =	sld [smem:$0x3FFD];
	_ =	sdelay $0x3  }
0x97: {  	_ =	strace s2  }
0x98: {  	_ =	strace $0x8FFFFFFF  }
0x99: {  	s20 =	sld [smem:$0x3FDB];
	_ =	sdelay $0x1  }
0x9a: {  	s5 =	simm.s32 $_scs_section_size  }
0x9b: {  	s6 =	simm.s32 $_size__tile_overlayer_lowered;
	s7 =	simm.s32 $_tile_overlayer_lowered  }
0x9c: {  	s8 =	simm.s32 $0x1BFF;
	s21 =	sshll.u32 s7, $0x1;
	s5 =	sadd.s32 s5, s20  }
0x9d: {  	s22 =	simm.s32 $0x0;
	s6 =	sshll.u32 s6, $0x1;
	s7 =	sadd.s32 s21, s5  }
0x9e: {  	[timem:s22], [sflag:s8] =	dma.local [hbm:s7], s6  }
0x9f: {  	_ =	swait.ge [sflag:s8], s6  }
0xa0: {  	s6 =	ssub.s32 $0x0, s6;
	[sflag:s8] =	ssyncset.done $0x0  }
0xa1: {  	[sflag:s8] =	ssyncadd.s32 s6;
	_ =	sdelay $0x1  }
0xa2: {  	s23 =	simm.s32 $0x1B8B  }
0xa3: {  	_ =	swait.ge [sflag:s23], $0x1  }
0xa4: {  	[sflag:s23] =	ssyncset.done $0x0  }
0xa5: {  	[sflag:s23] =	ssyncadd.s32 $0xFFFFFFFF  }
0xa6: {  	s6 =	sld [smem:$0x0]  }
0xa7: {  	s7 =	sand.u32 $0xFFFFFFFE, s1  }
0xa8: {  	p0 =	sne.s32 s1, s7  }
0xa9: {  	s7 =	sshll.u32 @p0 s7, $0xE  }
0xaa: {  	s7 =	sadd.s32 @p0 $0x11B8D, s7;
	s8 =	sshll.u32 @p0 s6, $0x11  }
0xab: {  	s7 =	sor.u32 @p0 s8, s7  }
0xac: {  	[sflag:s7] =	ssyncadd.remote.s32 @p0 $0x1;
	_ =	sdelay $0x1  }
0xad: {  	s7 =	simm.s32 @p0 $0x1B8D  }
0xae: {  	_ =	swait.eq @p0 [sflag:s7], $0x1  }
0xaf: {  	[sflag:s7] =	ssyncadd.s32 @p0 $0xFFFFFFFF  }
0xb0: {  	s8 =	sshll.u32 @!p0 s1, $0xE  }
0xb1: {  	s8 =	sor.u32 @!p0 $0x4000, s8;
	s7 =	simm.s32 @!p0 $0x1B8D  }
0xb2: {  	s6 =	sshll.u32 @!p0 s6, $0x11;
	s8 =	sadd.s32 @!p0 $0x11B8D, s8;
	_ =	swait.eq @!p0 [sflag:s7], $0x1  }
0xb3: {  	s6 =	sor.u32 @!p0 s6, s8;
	[sflag:s7] =	ssyncadd.s32 @!p0 $0xFFFFFFFF  }
0xb4: {  	s25 =	simm.s32 $0x1B8E;
	s24 =	sld [smem:$0x3FFE];
	[sflag:s6] =	ssyncadd.remote.s32 @!p0 $0x1  }
0xb5: {  	s26 =	simm.s32 $execute0_lowered;
	[smem:$0x3FD2] =	sst s25  }
0xb6: {  	s7 =	sshll.u32 s26, $0x1;
	_ =	strace $0x80000049;
	[dreg:$0x1] =	wrdreg $0xFFFFFFFF  }
0xb7: {  	s28 =	simm.s32 $_size_execute0_lowered;
	s5 =	sadd.s32 s5, s7;
	[dreg:$0x0] =	wrdreg $0x0  }
0xb8: {  	s7 =	sshll.u32 s28, $0x1;
	[dreg:$0x2] =	wrdreg s5  }
0xb9: {  	[dreg:$0x3] =	wrdreg s7  }
0xba: {  	[dreg:$0x4] =	wrdreg $0xC0  }
0xbb: {  	_ =	task [dreg:s22], $0x5FFFF  }
0xbc: {  	[dreg:$0x1] =	wrdreg $0xFFFFFFFF  }
0xbd: {  	[dreg:$0x0] =	wrdreg $0x60  }
0xbe: {  	[dreg:$0x2] =	wrdreg s24  }
0xbf: {  	[dreg:$0x3] =	wrdreg s18  }
0xc0: {  	[dreg:$0x4] =	wrdreg s4  }
0xc1: {  	[dreg:$0x5] =	wrdreg $0x9  }
0xc2: {  	_ =	task.clear_ibuf [dreg:s22], $0x6FFFF;
	_ =	strace $0x90000049  }
0xc3: {  	s29 =	simm.s32 $0x9;
	_ =	strace $0x8000004B  }
0xc4: {  	_ =	swait.ge [sflag:s29], $0x1  }
0xc5: {  	[sflag:s29] =	ssyncadd.s32 $0xFFFFFFFF  }
0xc6: {  	_ =	strace $0x9000004B  }
0xc7: {  	_ =	sfence  }
0xc8: {  	s30 =	sld [smem:$0x0];
	_ =	sdelay $0x2  }
0xc9: {  	s31 =	sshll.u32 s1, $0xD;
	s1 =	sshrl.u32 s1, $0x2  }
0xca: {  	s4 =	sand.u32 $0x4000, s31;
	s1 =	sadd.s32 s1, s30  }
0xcb: {  	s0 =	sor.u32 s4, s0;
	s1 =	sshll.u32 s1, $0x11  }
0xcc: {  	s0 =	sor.u32 s1, s0  }
0xcd: {  	s0 =	sadd.s32 $0x8F2B, s0  }
0xce: {  	[sflag:s0] =	ssyncadd.remote.s32 $0x1  }
0xcf: {  	_ =	sfence.sel $0xFFFF  }
0xd0: {  	[dreg:$0x0] =	wrdreg $0xFFFFFFFF;
	(pc) =	sbr.abs _section_cstart, $3  }
0xd1: {  	[dreg:$0x1] =	wrdreg $0xFFFFFFFF  }
0xd2: {  	_ =	task.clear_ibuf [dreg:s22], $0x2FFFF;
	_ =	strace $0x9FFFFFFF  }
0xd3: {  	(tm) =	ssettm $0x7FFFFFFF  }
tec
execute0_lowered:
.L_overlay_start_1:
0x0: {  	(tag) =	ssettag $0x1  }
0x1: {  	s1 =	srdreg.scid  }
0x2: {  	s4 =	rddreg [dreg:$0x0];
	s0 =	stileid.u32;
	s12 =	sand.u32 $0x1, s1  }
0x3: {  	s2 =	rddreg [dreg:$0x1];
	s31 =	sshll.u32 s0, $0x9;
	s3 =	sshll.u32 s12, $0x8  }
0x4: {  	s10 =	rddreg [dreg:$0x2];
	s11 =	sor.u32 s3, s31  }
0x5: {  	s1 =	rddreg [dreg:$0x3];
	s3 =	simm.s32 $0x0;
	s5 =	sshrl.u32 s11, $0x3  }
0x6: {  	[smem:$0x7FF] =	sst s3;
	s4 =	sadd.s32 s5, s4  }
0x7: {  	_ =	strace $0x8000004A;
	s5 =	simm.s32 $0x4;
	s4 =	sadd.s32 $0x22600, s4  }
0x8: {  	[tilespmem:s3], [sflag:$0x4] =	stream.linear.gather [hbm4b:s4+s3], $0x100, $0x38;
	[tilespmem:$0x8100] =	vst v63  }
0x9: {  	_ =	swait.ge [sflag:s5], $0x100  }
0xa: {  	[sflag:s5] =	ssyncset.done $0x0  }
0xb: {  	s6 =	simm.s32 $0x80;
	s7 =	simm.s32 $0x100;
	[sflag:s5] =	ssyncadd.s32 $0xFFFFFF00  }
0xc: {  	[tilespmem:s7], [sflag:$0x1] =	stream.indirect.gather [hbm4b:s2+s6], $0x80, s3, s6, $0xb8;
	[tilespmem:$0x8100] =	vst v63  }
0xd: {  	s8 =	simm.s32 $0x4100;
	s9 =	simm.s32 $0x1  }
0xe: {  	[tilespmem:s8], [sflag:$0x2] =	stream.indirect.gather [hbm4b:s2+s6], $0x80, s6, s6, $0xb8;
	[tilespmem:$0x8100] =	vst v63  }
0xf: {  	s14 =	ssub.s32 $0x2, s12;
	_ =	swait.ge [sflag:s9], $0x4000  }
0x10: {  	s15 =	sshrl.u32 s14, $0x1;
	s11 =	sshll.u32 s11, $0x4;
	[sflag:s9] =	ssyncset.done $0x0  }
0x11: {  	s10 =	sadd.s32 s10, s11;
	s11 =	simm.s32 $0x2;
	[sflag:s9] =	ssyncadd.s32 $0xFFFFC000  }
0x12: {  	[hbm4b:s10+s3] =	stream.linear.scatter [tilespmem:s7], [sflag:$0x3], $0x4000, $0x38;
	[tilespmem:$0x8100] =	vst v63  }
0x13: {  	s14 =	ssub.s32 s14, s15;
	_ =	swait.ge [sflag:s11], $0x4000  }
0x14: {  	s12 =	simm.s32 $0x3;
	s14 =	smax.u32 s14, $0x1;
	[sflag:s11] =	ssyncset.done $0x0  }
0x15: {  	s13 =	sadd.s32 $0x800, s10;
	p0 =	sne.s32 s14, $0x1;
	[sflag:s11] =	ssyncadd.s32 $0xFFFFC000  }
0x16: {  	[hbm4b:s13+s3] =	stream.linear.scatter [tilespmem:s8], [sflag:$0x3], $0x4000, $0x38;
	[tilespmem:$0x8100] =	vst v63  }
.Ltmp0:
0x17: {  	_ =	swait.ge [sflag:s12], $0x4000;
	(pc) =	sbr.rel @!p0 .LBB2_2-.Ltmp0, $4  }
0x18: {  	[sflag:s12] =	ssyncset.done $0x0  }
0x19: {  	[sflag:s12] =	ssyncadd.s32 $0xFFFFC000  }
0x1a: {  	_ =	swait.ge [sflag:s12], $0x4000  }
0x1b: {  	s14 =	sadd.s32 $0xFFFFFFFF, s14;
	[sflag:s12] =	ssyncset.done $0x0  }
.LBB2_1:
0x1c: {  	p0 =	sne.s32 s14, $0x1;
	s14 =	sadd.s32 $0xFFFFFFFF, s14;
	[sflag:s12] =	ssyncadd.s32 $0xFFFFC000  }
0x1d: {  	[tilespmem:s3], [sflag:$0x4] =	stream.linear.gather [hbm4b:s4+s3], $0x100, $0x38;
	[tilespmem:$0x8100] =	vst v63  }
0x1e: {  	_ =	swait.ge [sflag:s5], $0x100  }
0x1f: {  	[sflag:s5] =	ssyncset.done $0x0  }
0x20: {  	[sflag:s5] =	ssyncadd.s32 $0xFFFFFF00  }
0x21: {  	[tilespmem:s7], [sflag:$0x1] =	stream.indirect.gather [hbm4b:s2+s6], $0x80, s3, s6, $0xb8;
	[tilespmem:$0x8100] =	vst v63  }
0x22: {  	_ = 	snop  }
0x23: {  	[tilespmem:s8], [sflag:$0x2] =	stream.indirect.gather [hbm4b:s2+s6], $0x80, s6, s6, $0xb8;
	[tilespmem:$0x8100] =	vst v63  }
0x24: {  	_ =	swait.ge [sflag:s9], $0x4000  }
0x25: {  	[sflag:s9] =	ssyncset.done $0x0  }
0x26: {  	[sflag:s9] =	ssyncadd.s32 $0xFFFFC000  }
0x27: {  	[hbm4b:s10+s3] =	stream.linear.scatter [tilespmem:s7], [sflag:$0x3], $0x4000, $0x38;
	[tilespmem:$0x8100] =	vst v63  }
0x28: {  	_ =	swait.ge [sflag:s11], $0x4000  }
0x29: {  	[sflag:s11] =	ssyncset.done $0x0  }
0x2a: {  	[sflag:s11] =	ssyncadd.s32 $0xFFFFC000  }
0x2b: {  	[hbm4b:s13+s3] =	stream.linear.scatter [tilespmem:s8], [sflag:$0x3], $0x4000, $0x38;
	[tilespmem:$0x8100] =	vst v63  }
.Ltmp1:
0x2c: {  	_ =	swait.ge [sflag:s12], $0x4000;
	(pc) =	sbr.rel @p0 .LBB2_1-.Ltmp1, $4  }
0x2d: {  	[sflag:s12] =	ssyncset.done $0x0  }
0x2e: {  	[sflag:s12] =	ssyncadd.s32 $0xFFFFC000  }
0x2f: {  	_ =	swait.ge [sflag:s12], $0x4000  }
0x30: {  	[sflag:s12] =	ssyncset.done $0x0  }
.LBB2_2:
0x31: {  	[sflag:s12] =	ssyncadd.s32 $0xFFFFC000  }
0x32: {  	_ =	sfence.sel $0x180000  }
0x33: {  	[bflag:$0x0] =	sbarrier.arrive $0xFFFF  }
0x34: {  	p0 =	sne.s32 s0, $0x0;
	_ =	strace $0x9000004A  }
0x35: {  	s0 =	sadd.s32 @!p0 $0x100000, s1;
	[bflag:$0x2] =	sbarrier.arrive $0xFFFF  }
0x36: {  	[sflag:s0] =	ssyncadd.tile.s32 @!p0 $0x1;
	_ =	shalt  }
.Lfunc_end2:
_tile_overlayer_lowered:
.L_overlay_start_2:
0x37: {  	(tag) =	ssettag $0x2  }
0x38: {  	s0 =	rddreg [dreg:$0x0];
	s2 =	stileid.u32  }
0x39: {  	s1 =	rddreg [dreg:$0x1];
	p0 =	sne.s32 s2, $0x0  }
0x3a: {  	s3 =	rddreg [dreg:$0x2];
	[bflag:$0x3] =	sbarrier.arrive $0xFFFF;
	s2 =	simm.s32 @!p0 $0x1C04  }
0x3b: {  	[timem:s3], [sflag:s2] =	dma.local @!p0 [hbm:s0], s1  }
0x3c: {  	s0 =	simm.s32 @!p0 $0x4  }
0x3d: {  	_ =	swait.ge @!p0 [sflag:s0], s1  }
0x3e: {  	s1 =	ssub.s32 @!p0 $0x0, s1;
	[sflag:s0] =	ssyncset.done @!p0 $0x0  }
0x3f: {  	[sflag:s0] =	ssyncadd.s32 @!p0 s1  }
0x40: {  	[bflag:$0x3] =	sbarrier.arrive $0xFFFF  }
0x41: {  	_ =	shalt  }

</sc_bundles>
